<compile_context>
chip_gen: v7x
topology: tpu7x:2x2x1
jax: 0.10.2.dev20260603
libtpu: 0.0.44.dev20260713+nightly
codegen_flags: <defaults>
</compile_context>

<pallas_src>
import functools

import jax
import jax.numpy as jnp
from jax import lax
from jax.experimental import pallas as pl
from jax.experimental.pallas import tpu as pltpu
from jax.experimental.pallas import tpu_sc as plsc

N = 10000
E = 320000
D = 128
NA = 729
NC = 2
NS = 16
NW = NC * NS
EPW = E // NW
CH = 125
NCH = EPW // CH
NP = 10240
RPS = NP // NS

BLK = 1000
G = N // BLK


@functools.lru_cache(maxsize=None)
def _sc_kernels():
    mesh = plsc.VectorSubcoreMesh(core_axis_name="c", subcore_axis_name="s",
                                  num_cores=NC, num_subcores=NS)

    @functools.partial(
        pl.kernel,
        out_type=jax.ShapeDtypeStruct((NC, NP, D), jnp.float32),
        mesh=mesh,
        scratch_types=[
            pltpu.VMEM((NCH, CH), jnp.int32),
            pltpu.VMEM((CH, D), jnp.float32),
            pltpu.VMEM_SHARED((NP, D), jnp.float32),
        ],
    )
    def _sc_degree(dst_hbm, ones_hbm, zeros_hbm, out_hbm, dst_v, ones_v, deg_sh):
        cid = lax.axis_index("c")
        sid = lax.axis_index("s")
        wid = cid * NS + sid
        pltpu.sync_copy(zeros_hbm, deg_sh.at[pl.ds(sid * RPS, RPS)])
        pltpu.sync_copy(dst_hbm.at[wid], dst_v)
        pltpu.sync_copy(ones_hbm, ones_v)
        plsc.subcore_barrier()

        def step(j, carry):
            pltpu.sync_copy(ones_v, deg_sh.at[dst_v.at[j]], add=True)
            return carry

        lax.fori_loop(0, NCH, step, 0)
        plsc.subcore_barrier()
        pltpu.sync_copy(deg_sh.at[pl.ds(sid * RPS, RPS)],
                        out_hbm.at[cid, pl.ds(sid * RPS, RPS)])

    @functools.partial(
        pl.kernel,
        out_type=jax.ShapeDtypeStruct((NC, NP, D), jnp.float32),
        mesh=mesh,
        scratch_types=[
            pltpu.VMEM((2, NCH, CH), jnp.int32),
            pltpu.VMEM((CH, D), jnp.float32),
            pltpu.VMEM_SHARED((NP, D), jnp.float32),
            pltpu.SemaphoreType.DMA,
        ],
    )
    def _sc_scatter(t_hbm, idx_hbm, zeros_hbm, out_hbm,
                    idx_v, rows_v, acc_sh, sem):
        cid = lax.axis_index("c")
        sid = lax.axis_index("s")
        wid = cid * NS + sid
        pltpu.sync_copy(zeros_hbm, acc_sh.at[pl.ds(sid * RPS, RPS)])
        pltpu.sync_copy(idx_hbm.at[wid], idx_v)
        plsc.subcore_barrier()

        def step(j, carry):
            pltpu.async_copy(t_hbm.at[idx_v.at[0, j]], rows_v, sem).wait()
            pltpu.sync_copy(rows_v, acc_sh.at[idx_v.at[1, j]], add=True)
            return carry

        lax.fori_loop(0, NCH, step, 0)
        plsc.subcore_barrier()
        pltpu.sync_copy(acc_sh.at[pl.ds(sid * RPS, RPS)],
                        out_hbm.at[cid, pl.ds(sid * RPS, RPS)])

    return _sc_degree, _sc_scatter



def _tc_dis(d0, d1):
    def body(a_ref, b_ref, o_ref):
        o_ref[...] = lax.rsqrt(a_ref[...] + b_ref[...] + 1.0)

    return pl.pallas_call(
        body, out_shape=jax.ShapeDtypeStruct((N,), jnp.float32))(d0, d1)


def _tc_mmscale(x, W, disc):
    def body(x_ref, w_ref, d_ref, o_ref):
        o_ref[...] = jnp.dot(x_ref[...], w_ref[...],
                             preferred_element_type=jnp.float32) * d_ref[...]

    return pl.pallas_call(
        body,
        grid=(G,),
        in_specs=[pl.BlockSpec((BLK, D), lambda i: (i, 0)),
                  pl.BlockSpec((D, D), lambda i: (0, 0)),
                  pl.BlockSpec((BLK, 1), lambda i: (i, 0))],
        out_specs=pl.BlockSpec((BLK, D), lambda i: (i, 0)),
        out_shape=jax.ShapeDtypeStruct((N, D), jnp.float32),
    )(x, W, disc)


def _tc_layer(s0, s1, t, disc, b, W):
    def body(s0_ref, s1_ref, t_ref, d_ref, b_ref, w_ref, o_ref):
        h = jnp.maximum(
            (s0_ref[...] + s1_ref[...] + t_ref[...]) * d_ref[...] + b_ref[...],
            0.0)
        o_ref[...] = jnp.dot(h, w_ref[...],
                             preferred_element_type=jnp.float32) * d_ref[...]

    return pl.pallas_call(
        body,
        grid=(G,),
        in_specs=[pl.BlockSpec((BLK, D), lambda i: (i, 0)),
                  pl.BlockSpec((BLK, D), lambda i: (i, 0)),
                  pl.BlockSpec((BLK, D), lambda i: (i, 0)),
                  pl.BlockSpec((BLK, 1), lambda i: (i, 0)),
                  pl.BlockSpec((1, D), lambda i: (0, 0)),
                  pl.BlockSpec((D, D), lambda i: (0, 0))],
        out_specs=pl.BlockSpec((BLK, D), lambda i: (i, 0)),
        out_shape=jax.ShapeDtypeStruct((N, D), jnp.float32),
    )(s0, s1, t, disc, b, W)


def _tc_head(s0, s1, t, disc, b, Wa, ba, Wc, bc):
    def body(s0_ref, s1_ref, t_ref, d_ref, b_ref, wa_ref, ba_ref, wc_ref,
             bc_ref, lo_ref, vo_ref, acc_ref):
        i = pl.program_id(0)
        h = jnp.maximum(
            (s0_ref[...] + s1_ref[...] + t_ref[...]) * d_ref[...] + b_ref[...],
            0.0)
        ps = jnp.sum(h, axis=0, keepdims=True)

        @pl.when(i == 0)
        def _():
            acc_ref[...] = ps

        @pl.when(i > 0)
        def _():
            acc_ref[...] += ps

        @pl.when(i == G - 1)
        def _():
            gf = acc_ref[...] * (1.0 / N)
            lo_ref[...] = jnp.dot(gf, wa_ref[...],
                                  preferred_element_type=jnp.float32) + ba_ref[...]
            vo_ref[...] = jnp.dot(gf, wc_ref[...],
                                  preferred_element_type=jnp.float32) + bc_ref[...]

    return pl.pallas_call(
        body,
        grid=(G,),
        in_specs=[pl.BlockSpec((BLK, D), lambda i: (i, 0)),
                  pl.BlockSpec((BLK, D), lambda i: (i, 0)),
                  pl.BlockSpec((BLK, D), lambda i: (i, 0)),
                  pl.BlockSpec((BLK, 1), lambda i: (i, 0)),
                  pl.BlockSpec((1, D), lambda i: (0, 0)),
                  pl.BlockSpec((D, NA), lambda i: (0, 0)),
                  pl.BlockSpec((1, NA), lambda i: (0, 0)),
                  pl.BlockSpec((D, 1), lambda i: (0, 0)),
                  pl.BlockSpec((1, 1), lambda i: (0, 0))],
        out_specs=[pl.BlockSpec((1, NA), lambda i: (0, 0)),
                   pl.BlockSpec((1, 1), lambda i: (0, 0))],
        out_shape=[jax.ShapeDtypeStruct((1, NA), jnp.float32),
                   jax.ShapeDtypeStruct((1, 1), jnp.float32)],
        scratch_shapes=[pltpu.VMEM((1, D), jnp.float32)],
    )(s0, s1, t, disc, b, Wa, ba, Wc, bc)



def kernel(x, edge_index, W1, b1, W2, b2, W3, b3, Wa, ba, Wc, bc):
    ei = edge_index.astype(jnp.int32)
    src3 = ei[0].reshape(NW, NCH, CH)
    dst3 = ei[1].reshape(NW, NCH, CH)
    idx3 = jnp.stack([src3, dst3], axis=1)

    onesd = jnp.ones((CH, D), jnp.float32)
    zrows = jnp.zeros((RPS, D), jnp.float32)

    _sc_degree, _sc_scatter = _sc_kernels()
    degp = _sc_degree(dst3, onesd, zrows)
    dis = _tc_dis(degp[0, :N, 0], degp[1, :N, 0])
    disc = dis.reshape(N, 1)

    b1r, b2r, b3r = b1.reshape(1, D), b2.reshape(1, D), b3.reshape(1, D)

    t = _tc_mmscale(x, W1, disc)
    sp = _sc_scatter(t, idx3, zrows)
    t = _tc_layer(sp[0], sp[1], t, disc, b1r, W2)
    sp = _sc_scatter(t, idx3, zrows)
    t = _tc_layer(sp[0], sp[1], t, disc, b2r, W3)
    sp = _sc_scatter(t, idx3, zrows)
    logits, value = _tc_head(sp[0], sp[1], t, disc, b3r,
                             Wa, ba.reshape(1, NA), Wc, bc.reshape(1, 1))
    return logits.reshape(NA), value.reshape(())

# --- scband reference (transcript-rebuilt; emitter-appended) ---
"""Pipeline reference for scband-sudoku-policy-2190433321671 (READ-ONLY COPY).

The authoritative reference and input builder live on the scoring server;
editing this copy changes nothing except your own understanding.
"""

import jax, jax.numpy as jnp
import numpy as np

N_NODES = 10000
N_EDGES = 320000
D_IN = 128
D_HID = 128
N_ACT = 729

def setup_inputs(seed: int = 0) -> dict:
    key = jax.random.key(seed)
    ks = jax.random.split(key, 12)
    x = jax.random.normal(ks[0], (N_NODES, D_IN), dtype=jnp.float32)
    edge_index = jax.random.randint(ks[1], (2, N_EDGES), 0, N_NODES, dtype=jnp.int64)
    W1 = jax.random.normal(ks[2], (D_IN, D_HID), dtype=jnp.float32) * 0.05
    b1 = jnp.zeros((D_HID,), dtype=jnp.float32)
    W2 = jax.random.normal(ks[3], (D_HID, D_HID), dtype=jnp.float32) * 0.05
    b2 = jnp.zeros((D_HID,), dtype=jnp.float32)
    W3 = jax.random.normal(ks[4], (D_HID, D_HID), dtype=jnp.float32) * 0.05
    b3 = jnp.zeros((D_HID,), dtype=jnp.float32)
    Wa = jax.random.normal(ks[5], (D_HID, N_ACT), dtype=jnp.float32) * 0.05
    ba = jnp.zeros((N_ACT,), dtype=jnp.float32)
    Wc = jax.random.normal(ks[6], (D_HID, 1), dtype=jnp.float32) * 0.05
    bc = jnp.zeros((1,), dtype=jnp.float32)
    return {"x": x, "edge_index": edge_index, "W1": W1, "b1": b1, "W2": W2, "b2": b2, "W3": W3, "b3": b3, "Wa": Wa, "ba": ba, "Wc": Wc, "bc": bc}

def gcn_conv(x, src, dst, W, b, num_nodes):
    # GCNConv with added self-loops and symmetric normalization (PyG semantics)
    h = x @ W
    deg = jnp.zeros((num_nodes,), dtype=x.dtype).at[dst].add(1.0)
    deg_inv_sqrt = jnp.where(deg > 0, deg ** -0.5, 0.0)
    norm = deg_inv_sqrt[src] * deg_inv_sqrt[dst]
    msg = h[src] * norm[:, None]
    out = jnp.zeros((num_nodes, h.shape[1]), dtype=x.dtype).at[dst].add(msg)
    return out + b

def reference(x, edge_index, W1, b1, W2, b2, W3, b3, Wa, ba, Wc, bc):
    num_nodes = x.shape[0]
    loop = jnp.arange(num_nodes, dtype=edge_index.dtype)
    src = jnp.concatenate([edge_index[0], loop])
    dst = jnp.concatenate([edge_index[1], loop])
    h = jax.nn.relu(gcn_conv(x, src, dst, W1, b1, num_nodes))
    h = jax.nn.relu(gcn_conv(h, src, dst, W2, b2, num_nodes))
    h = jax.nn.relu(gcn_conv(h, src, dst, W3, b3, num_nodes))
    # global_mean_pool with a single graph (batch all zeros) == mean over nodes
    graph_feat = jnp.mean(h, axis=0)
    logits = graph_feat @ Wa + ba
    value = (graph_feat @ Wc + bc).squeeze()
    return (logits, value)

if __name__ == "__main__":
    import jax
    _d = setup_inputs()
    print(jax.jit(kernel)(*tuple(_d.values())))

</pallas_src>

<mosaic_0001>
#map = affine_map<(d0, d1) -> (0, 0)>
#map1 = affine_map<(d0, d1) -> (0, 0, 0, 0)>
#map2 = affine_map<(d0, d1) -> (0, 0, 0)>
module attributes {stable_mosaic.version = 14 : i64} {
  func.func @_sc_scatter(%arg0: i32, %arg1: i32, %arg2: memref<10000x128xf32, #tpu.memory_space<hbm>>, %arg3: memref<32x2x80x125xi32, #tpu.memory_space<hbm>>, %arg4: memref<640x128xf32, #tpu.memory_space<hbm>>, %arg5: memref<2x10240x128xf32, #tpu.memory_space<hbm>>, %arg6: memref<2x80x125xi32, #tpu.memory_space<vmem>>, %arg7: memref<125x128xf32, #tpu.memory_space<vmem>>, %arg8: memref<10240x128xf32, #tpu.memory_space<vmem_shared>>, %arg9: memref<!tpu.dma_semaphore, #tpu.memory_space<semaphore_mem>>) attributes {dimension_semantics = [#tpu.dimension_semantics<core_parallel>, #tpu.dimension_semantics<subcore_parallel>], iteration_bounds = array<i64: 2, 16>, scalar_prefetch = 0 : i64, scratch_operands = 4 : i64, tpu.core_type = #tpu.core_type<sc_vector_subcore>, window_params = [{transform_indices = #map}, {transform_indices = #map1}, {transform_indices = #map}, {transform_indices = #map2}]} {
    %mul3A = arith.constant 16 : i32
    %mul3A_0 = arith.muli %arg0, %mul3A : i32
    %add3A = arith.addi %mul3A_0, %arg1 : i32
    %mul3A_1 = arith.constant 640 : i32
    %mul3A_2 = arith.muli %arg1, %mul3A_1 : i32
    "tpu.region"() ({
      %run_scoped3A = tpu.sem_alloc : memref<!tpu.dma_semaphore, #tpu.memory_space<semaphore_mem>>
      %dma_start3A = arith.constant 0 : i32
      %dma_start3A_13 = tpu.memref_slice %arg8[%mul3A_2, %dma_start3A] : memref<10240x128xf32, #tpu.memory_space<vmem_shared>> -> memref<640x128xf32, #tpu.memory_space<vmem_shared>>
      tpu.enqueue_dma source(%arg4 : memref<640x128xf32, #tpu.memory_space<hbm>>) target(%dma_start3A_13 : memref<640x128xf32, #tpu.memory_space<vmem_shared>>) target_semaphore(%run_scoped3A : memref<!tpu.dma_semaphore, #tpu.memory_space<semaphore_mem>>)
      %dma_wait3A = arith.constant 0 : i32
      %dma_wait3A_14 = tpu.memref_slice %arg8[%mul3A_2, %dma_wait3A] : memref<10240x128xf32, #tpu.memory_space<vmem_shared>> -> memref<640x128xf32, #tpu.memory_space<vmem_shared>>
      tpu.wait_dma2 semaphore(%run_scoped3A : memref<!tpu.dma_semaphore, #tpu.memory_space<semaphore_mem>>) src(%arg4 : memref<640x128xf32, #tpu.memory_space<hbm>>) dst(%dma_wait3A_14 : memref<640x128xf32, #tpu.memory_space<vmem_shared>>)
      tpu.yield
    }) : () -> ()
    "tpu.region"() ({
      %run_scoped3A = tpu.sem_alloc : memref<!tpu.dma_semaphore, #tpu.memory_space<semaphore_mem>>
      %dma_start3A = arith.constant 0 : i32
      %dma_start3A_13 = arith.constant 0 : i32
      %dma_start3A_14 = arith.constant 0 : i32
      %dma_start3A_15 = tpu.memref_slice %arg3[%add3A, %dma_start3A, %dma_start3A_13, %dma_start3A_14] : memref<32x2x80x125xi32, #tpu.memory_space<hbm>> -> memref<1x2x80x125xi32, #tpu.memory_space<hbm>>
      %dma_start3A_16 = tpu.memref_squeeze %dma_start3A_15 : memref<1x2x80x125xi32, #tpu.memory_space<hbm>> -> memref<2x80x125xi32, #tpu.memory_space<hbm>>
      %dma_start3A_17 = arith.constant 0 : i32
      %dma_start3A_18 = arith.constant 0 : i32
      %dma_start3A_19 = arith.constant 0 : i32
      %dma_start3A_20 = tpu.memref_slice %arg3[%add3A, %dma_start3A_17, %dma_start3A_18, %dma_start3A_19] : memref<32x2x80x125xi32, #tpu.memory_space<hbm>> -> memref<1x2x80x125xi32, #tpu.memory_space<hbm>>
      %dma_start3A_21 = tpu.memref_squeeze %dma_start3A_20 : memref<1x2x80x125xi32, #tpu.memory_space<hbm>> -> memref<2x80x125xi32, #tpu.memory_space<hbm>>
      tpu.enqueue_dma source(%dma_start3A_21 : memref<2x80x125xi32, #tpu.memory_space<hbm>>) target(%arg6 : memref<2x80x125xi32, #tpu.memory_space<vmem>>) target_semaphore(%run_scoped3A : memref<!tpu.dma_semaphore, #tpu.memory_space<semaphore_mem>>)
      %dma_wait3A = arith.constant 0 : i32
      %dma_wait3A_22 = arith.constant 0 : i32
      %dma_wait3A_23 = arith.constant 0 : i32
      %dma_wait3A_24 = tpu.memref_slice %arg3[%add3A, %dma_wait3A, %dma_wait3A_22, %dma_wait3A_23] : memref<32x2x80x125xi32, #tpu.memory_space<hbm>> -> memref<1x2x80x125xi32, #tpu.memory_space<hbm>>
      %dma_wait3A_25 = tpu.memref_squeeze %dma_wait3A_24 : memref<1x2x80x125xi32, #tpu.memory_space<hbm>> -> memref<2x80x125xi32, #tpu.memory_space<hbm>>
      %dma_wait3A_26 = arith.constant 0 : i32
      %dma_wait3A_27 = arith.constant 0 : i32
      %dma_wait3A_28 = arith.constant 0 : i32
      %dma_wait3A_29 = tpu.memref_slice %arg3[%add3A, %dma_wait3A_26, %dma_wait3A_27, %dma_wait3A_28] : memref<32x2x80x125xi32, #tpu.memory_space<hbm>> -> memref<1x2x80x125xi32, #tpu.memory_space<hbm>>
      %dma_wait3A_30 = tpu.memref_squeeze %dma_wait3A_29 : memref<1x2x80x125xi32, #tpu.memory_space<hbm>> -> memref<2x80x125xi32, #tpu.memory_space<hbm>>
      tpu.wait_dma2 semaphore(%run_scoped3A : memref<!tpu.dma_semaphore, #tpu.memory_space<semaphore_mem>>) src(%dma_wait3A_30 : memref<2x80x125xi32, #tpu.memory_space<hbm>>) dst(%arg6 : memref<2x80x125xi32, #tpu.memory_space<vmem>>)
      tpu.yield
    }) : () -> ()
    %barrier3A = arith.constant 0 : index
    tpu.barrier barrier_id(%barrier3A)
    %scan3A = arith.constant 0 : i32
    %scan3A_3 = arith.constant 0 : i32
    %scan3A_4 = arith.constant 80 : i32
    %scan3A_5 = arith.addi %scan3A_3, %scan3A_4 : i32
    %scan3A_6 = arith.constant 1 : i32
    scf.for %scan3A_13 = %scan3A_3 to %scan3A_5 step %scan3A_6  : i32 {
      %dma_start3A = arith.constant 0 : i32
      %dma_start3A_14 = arith.constant 0 : i32
      %dma_start3A_15 = tpu.memref_slice %arg6[%dma_start3A, %scan3A_13, %dma_start3A_14] : memref<2x80x125xi32, #tpu.memory_space<vmem>> -> memref<1x1x125xi32, #tpu.memory_space<vmem>>
      %dma_start3A_16 = tpu.memref_squeeze %dma_start3A_15 : memref<1x1x125xi32, #tpu.memory_space<vmem>> -> memref<125xi32, #tpu.memory_space<vmem>>
      %dma_start3A_17 = arith.constant 0 : i32
      %dma_start3A_18 = arith.constant 0 : i32
      %dma_start3A_19 = tpu.memref_slice %arg2[%dma_start3A_17, %dma_start3A_18] : memref<10000x128xf32, #tpu.memory_space<hbm>> -> memref<10000x128xf32, #tpu.memory_space<hbm>>
      tpu.enqueue_indirect_dma source(%dma_start3A_19 : memref<10000x128xf32, #tpu.memory_space<hbm>>) target(%arg7 : memref<125x128xf32, #tpu.memory_space<vmem>>) offsets(%dma_start3A_16 : memref<125xi32, #tpu.memory_space<vmem>>) semaphore(%arg9 : memref<!tpu.dma_semaphore, #tpu.memory_space<semaphore_mem>>)
      %dma_wait3A = arith.constant 0 : i32
      %dma_wait3A_20 = arith.constant 0 : i32
      %dma_wait3A_21 = tpu.memref_slice %arg6[%dma_wait3A, %scan3A_13, %dma_wait3A_20] : memref<2x80x125xi32, #tpu.memory_space<vmem>> -> memref<1x1x125xi32, #tpu.memory_space<vmem>>
      %dma_wait3A_22 = tpu.memref_squeeze %dma_wait3A_21 : memref<1x1x125xi32, #tpu.memory_space<vmem>> -> memref<125xi32, #tpu.memory_space<vmem>>
      %dma_wait3A_23 = arith.constant 0 : i32
      %dma_wait3A_24 = arith.constant 0 : i32
      %dma_wait3A_25 = tpu.memref_slice %arg2[%dma_wait3A_23, %dma_wait3A_24] : memref<10000x128xf32, #tpu.memory_space<hbm>> -> memref<10000x128xf32, #tpu.memory_space<hbm>>
      tpu.wait_indirect_dma semaphore(%arg9 : memref<!tpu.dma_semaphore, #tpu.memory_space<semaphore_mem>>) src(%dma_wait3A_25 : memref<10000x128xf32, #tpu.memory_space<hbm>>) dst(%arg7 : memref<125x128xf32, #tpu.memory_space<vmem>>)
      %run_scoped3A = arith.constant 1 : i32
      "tpu.region"() ({
        %run_scoped3A_26 = tpu.sem_alloc : memref<!tpu.dma_semaphore, #tpu.memory_space<semaphore_mem>>
        %dma_start3A_27 = arith.constant 0 : i32
        %dma_start3A_28 = tpu.memref_slice %arg6[%run_scoped3A, %scan3A_13, %dma_start3A_27] : memref<2x80x125xi32, #tpu.memory_space<vmem>> -> memref<1x1x125xi32, #tpu.memory_space<vmem>>
        %dma_start3A_29 = tpu.memref_squeeze %dma_start3A_28 : memref<1x1x125xi32, #tpu.memory_space<vmem>> -> memref<125xi32, #tpu.memory_space<vmem>>
        %dma_start3A_30 = arith.constant 0 : i32
        %dma_start3A_31 = arith.constant 0 : i32
        %dma_start3A_32 = tpu.memref_slice %arg8[%dma_start3A_30, %dma_start3A_31] : memref<10240x128xf32, #tpu.memory_space<vmem_shared>> -> memref<10240x128xf32, #tpu.memory_space<vmem_shared>>
        tpu.enqueue_indirect_dma source(%arg7 : memref<125x128xf32, #tpu.memory_space<vmem>>) target(%dma_start3A_32 : memref<10240x128xf32, #tpu.memory_space<vmem_shared>>) offsets(%dma_start3A_29 : memref<125xi32, #tpu.memory_space<vmem>>) semaphore(%run_scoped3A_26 : memref<!tpu.dma_semaphore, #tpu.memory_space<semaphore_mem>>) {add = true}
        %dma_wait3A_33 = arith.constant 0 : i32
        %dma_wait3A_34 = tpu.memref_slice %arg6[%run_scoped3A, %scan3A_13, %dma_wait3A_33] : memref<2x80x125xi32, #tpu.memory_space<vmem>> -> memref<1x1x125xi32, #tpu.memory_space<vmem>>
        %dma_wait3A_35 = tpu.memref_squeeze %dma_wait3A_34 : memref<1x1x125xi32, #tpu.memory_space<vmem>> -> memref<125xi32, #tpu.memory_space<vmem>>
        %dma_wait3A_36 = arith.constant 0 : i32
        %dma_wait3A_37 = arith.constant 0 : i32
        %dma_wait3A_38 = tpu.memref_slice %arg8[%dma_wait3A_36, %dma_wait3A_37] : memref<10240x128xf32, #tpu.memory_space<vmem_shared>> -> memref<10240x128xf32, #tpu.memory_space<vmem_shared>>
        tpu.wait_indirect_dma semaphore(%run_scoped3A_26 : memref<!tpu.dma_semaphore, #tpu.memory_space<semaphore_mem>>) src(%arg7 : memref<125x128xf32, #tpu.memory_space<vmem>>) dst(%dma_wait3A_38 : memref<10240x128xf32, #tpu.memory_space<vmem_shared>>)
        tpu.yield
      }) : () -> ()
    }
    %scan3A_7 = arith.constant 80 : i32
    %barrier3A_8 = arith.constant 0 : index
    tpu.barrier barrier_id(%barrier3A_8)
    %mul3A_9 = arith.constant 640 : i32
    %mul3A_10 = arith.muli %arg1, %mul3A_9 : i32
    %mul3A_11 = arith.constant 640 : i32
    %mul3A_12 = arith.muli %arg1, %mul3A_11 : i32
    "tpu.region"() ({
      %run_scoped3A = tpu.sem_alloc : memref<!tpu.dma_semaphore, #tpu.memory_space<semaphore_mem>>
      %dma_start3A = arith.constant 0 : i32
      %dma_start3A_13 = tpu.memref_slice %arg5[%arg0, %mul3A_12, %dma_start3A] : memref<2x10240x128xf32, #tpu.memory_space<hbm>> -> memref<1x640x128xf32, #tpu.memory_space<hbm>>
      %dma_start3A_14 = tpu.memref_squeeze %dma_start3A_13 : memref<1x640x128xf32, #tpu.memory_space<hbm>> -> memref<640x128xf32, #tpu.memory_space<hbm>>
      %dma_start3A_15 = arith.constant 0 : i32
      %dma_start3A_16 = tpu.memref_slice %arg8[%mul3A_10, %dma_start3A_15] : memref<10240x128xf32, #tpu.memory_space<vmem_shared>> -> memref<640x128xf32, #tpu.memory_space<vmem_shared>>
      tpu.enqueue_dma source(%dma_start3A_16 : memref<640x128xf32, #tpu.memory_space<vmem_shared>>) target(%dma_start3A_14 : memref<640x128xf32, #tpu.memory_space<hbm>>) target_semaphore(%run_scoped3A : memref<!tpu.dma_semaphore, #tpu.memory_space<semaphore_mem>>)
      %dma_wait3A = arith.constant 0 : i32
      %dma_wait3A_17 = tpu.memref_slice %arg5[%arg0, %mul3A_12, %dma_wait3A] : memref<2x10240x128xf32, #tpu.memory_space<hbm>> -> memref<1x640x128xf32, #tpu.memory_space<hbm>>
      %dma_wait3A_18 = tpu.memref_squeeze %dma_wait3A_17 : memref<1x640x128xf32, #tpu.memory_space<hbm>> -> memref<640x128xf32, #tpu.memory_space<hbm>>
      %dma_wait3A_19 = arith.constant 0 : i32
      %dma_wait3A_20 = tpu.memref_slice %arg8[%mul3A_10, %dma_wait3A_19] : memref<10240x128xf32, #tpu.memory_space<vmem_shared>> -> memref<640x128xf32, #tpu.memory_space<vmem_shared>>
      tpu.wait_dma2 semaphore(%run_scoped3A : memref<!tpu.dma_semaphore, #tpu.memory_space<semaphore_mem>>) src(%dma_wait3A_20 : memref<640x128xf32, #tpu.memory_space<vmem_shared>>) dst(%dma_wait3A_18 : memref<640x128xf32, #tpu.memory_space<hbm>>)
      tpu.yield
    }) : () -> ()
    return
  }
}

#map = affine_map<(d0, d1) -> (0, 0)>
#map1 = affine_map<(d0, d1) -> (0, 0, 0, 0)>
#map2 = affine_map<(d0, d1) -> (0, 0, 0)>
module attributes {stable_mosaic.version = 14 : i64} {
  func.func @_sc_scatter(%arg0: i32, %arg1: i32, %arg2: memref<10000x128xf32, #tpu.memory_space<hbm>>, %arg3: memref<32x2x80x125xi32, #tpu.memory_space<hbm>>, %arg4: memref<640x128xf32, #tpu.memory_space<hbm>>, %arg5: memref<2x10240x128xf32, #tpu.memory_space<hbm>>, %arg6: memref<2x80x125xi32, #tpu.memory_space<vmem>>, %arg7: memref<125x128xf32, #tpu.memory_space<vmem>>, %arg8: memref<10240x128xf32, #tpu.memory_space<vmem_shared>>, %arg9: memref<!tpu.dma_semaphore, #tpu.memory_space<semaphore_mem>>) attributes {dimension_semantics = [#tpu.dimension_semantics<core_parallel>, #tpu.dimension_semantics<subcore_parallel>], iteration_bounds = array<i64: 2, 16>, scalar_prefetch = 0 : i64, scratch_operands = 4 : i64, tpu.core_type = #tpu.core_type<sc_vector_subcore>, window_params = [{transform_indices = #map}, {transform_indices = #map1}, {transform_indices = #map}, {transform_indices = #map2}]} {
    %mul3A = arith.constant 16 : i32
    %mul3A_0 = arith.muli %arg0, %mul3A : i32
    %add3A = arith.addi %mul3A_0, %arg1 : i32
    %mul3A_1 = arith.constant 640 : i32
    %mul3A_2 = arith.muli %arg1, %mul3A_1 : i32
    "tpu.region"() ({
      %run_scoped3A = tpu.sem_alloc : memref<!tpu.dma_semaphore, #tpu.memory_space<semaphore_mem>>
      %dma_start3A = arith.constant 0 : i32
      %dma_start3A_13 = tpu.memref_slice %arg8[%mul3A_2, %dma_start3A] : memref<10240x128xf32, #tpu.memory_space<vmem_shared>> -> memref<640x128xf32, #tpu.memory_space<vmem_shared>>
      tpu.enqueue_dma source(%arg4 : memref<640x128xf32, #tpu.memory_space<hbm>>) target(%dma_start3A_13 : memref<640x128xf32, #tpu.memory_space<vmem_shared>>) target_semaphore(%run_scoped3A : memref<!tpu.dma_semaphore, #tpu.memory_space<semaphore_mem>>)
      %dma_wait3A = arith.constant 0 : i32
      %dma_wait3A_14 = tpu.memref_slice %arg8[%mul3A_2, %dma_wait3A] : memref<10240x128xf32, #tpu.memory_space<vmem_shared>> -> memref<640x128xf32, #tpu.memory_space<vmem_shared>>
      tpu.wait_dma2 semaphore(%run_scoped3A : memref<!tpu.dma_semaphore, #tpu.memory_space<semaphore_mem>>) src(%arg4 : memref<640x128xf32, #tpu.memory_space<hbm>>) dst(%dma_wait3A_14 : memref<640x128xf32, #tpu.memory_space<vmem_shared>>)
      tpu.yield
    }) : () -> ()
    "tpu.region"() ({
      %run_scoped3A = tpu.sem_alloc : memref<!tpu.dma_semaphore, #tpu.memory_space<semaphore_mem>>
      %dma_start3A = arith.constant 0 : i32
      %dma_start3A_13 = arith.constant 0 : i32
      %dma_start3A_14 = arith.constant 0 : i32
      %dma_start3A_15 = tpu.memref_slice %arg3[%add3A, %dma_start3A, %dma_start3A_13, %dma_start3A_14] : memref<32x2x80x125xi32, #tpu.memory_space<hbm>> -> memref<1x2x80x125xi32, #tpu.memory_space<hbm>>
      %dma_start3A_16 = tpu.memref_squeeze %dma_start3A_15 : memref<1x2x80x125xi32, #tpu.memory_space<hbm>> -> memref<2x80x125xi32, #tpu.memory_space<hbm>>
      %dma_start3A_17 = arith.constant 0 : i32
      %dma_start3A_18 = arith.constant 0 : i32
      %dma_start3A_19 = arith.constant 0 : i32
      %dma_start3A_20 = tpu.memref_slice %arg3[%add3A, %dma_start3A_17, %dma_start3A_18, %dma_start3A_19] : memref<32x2x80x125xi32, #tpu.memory_space<hbm>> -> memref<1x2x80x125xi32, #tpu.memory_space<hbm>>
      %dma_start3A_21 = tpu.memref_squeeze %dma_start3A_20 : memref<1x2x80x125xi32, #tpu.memory_space<hbm>> -> memref<2x80x125xi32, #tpu.memory_space<hbm>>
      tpu.enqueue_dma source(%dma_start3A_21 : memref<2x80x125xi32, #tpu.memory_space<hbm>>) target(%arg6 : memref<2x80x125xi32, #tpu.memory_space<vmem>>) target_semaphore(%run_scoped3A : memref<!tpu.dma_semaphore, #tpu.memory_space<semaphore_mem>>)
      %dma_wait3A = arith.constant 0 : i32
      %dma_wait3A_22 = arith.constant 0 : i32
      %dma_wait3A_23 = arith.constant 0 : i32
      %dma_wait3A_24 = tpu.memref_slice %arg3[%add3A, %dma_wait3A, %dma_wait3A_22, %dma_wait3A_23] : memref<32x2x80x125xi32, #tpu.memory_space<hbm>> -> memref<1x2x80x125xi32, #tpu.memory_space<hbm>>
      %dma_wait3A_25 = tpu.memref_squeeze %dma_wait3A_24 : memref<1x2x80x125xi32, #tpu.memory_space<hbm>> -> memref<2x80x125xi32, #tpu.memory_space<hbm>>
      %dma_wait3A_26 = arith.constant 0 : i32
      %dma_wait3A_27 = arith.constant 0 : i32
      %dma_wait3A_28 = arith.constant 0 : i32
      %dma_wait3A_29 = tpu.memref_slice %arg3[%add3A, %dma_wait3A_26, %dma_wait3A_27, %dma_wait3A_28] : memref<32x2x80x125xi32, #tpu.memory_space<hbm>> -> memref<1x2x80x125xi32, #tpu.memory_space<hbm>>
      %dma_wait3A_30 = tpu.memref_squeeze %dma_wait3A_29 : memref<1x2x80x125xi32, #tpu.memory_space<hbm>> -> memref<2x80x125xi32, #tpu.memory_space<hbm>>
      tpu.wait_dma2 semaphore(%run_scoped3A : memref<!tpu.dma_semaphore, #tpu.memory_space<semaphore_mem>>) src(%dma_wait3A_30 : memref<2x80x125xi32, #tpu.memory_space<hbm>>) dst(%arg6 : memref<2x80x125xi32, #tpu.memory_space<vmem>>)
      tpu.yield
    }) : () -> ()
    %barrier3A = arith.constant 0 : index
    tpu.barrier barrier_id(%barrier3A)
    %scan3A = arith.constant 0 : i32
    %scan3A_3 = arith.constant 0 : i32
    %scan3A_4 = arith.constant 80 : i32
    %scan3A_5 = arith.addi %scan3A_3, %scan3A_4 : i32
    %scan3A_6 = arith.constant 1 : i32
    scf.for %scan3A_13 = %scan3A_3 to %scan3A_5 step %scan3A_6  : i32 {
      %dma_start3A = arith.constant 0 : i32
      %dma_start3A_14 = arith.constant 0 : i32
      %dma_start3A_15 = tpu.memref_slice %arg6[%dma_start3A, %scan3A_13, %dma_start3A_14] : memref<2x80x125xi32, #tpu.memory_space<vmem>> -> memref<1x1x125xi32, #tpu.memory_space<vmem>>
      %dma_start3A_16 = tpu.memref_squeeze %dma_start3A_15 : memref<1x1x125xi32, #tpu.memory_space<vmem>> -> memref<125xi32, #tpu.memory_space<vmem>>
      %dma_start3A_17 = arith.constant 0 : i32
      %dma_start3A_18 = arith.constant 0 : i32
      %dma_start3A_19 = tpu.memref_slice %arg2[%dma_start3A_17, %dma_start3A_18] : memref<10000x128xf32, #tpu.memory_space<hbm>> -> memref<10000x128xf32, #tpu.memory_space<hbm>>
      tpu.enqueue_indirect_dma source(%dma_start3A_19 : memref<10000x128xf32, #tpu.memory_space<hbm>>) target(%arg7 : memref<125x128xf32, #tpu.memory_space<vmem>>) offsets(%dma_start3A_16 : memref<125xi32, #tpu.memory_space<vmem>>) semaphore(%arg9 : memref<!tpu.dma_semaphore, #tpu.memory_space<semaphore_mem>>)
      %dma_wait3A = arith.constant 0 : i32
      %dma_wait3A_20 = arith.constant 0 : i32
      %dma_wait3A_21 = tpu.memref_slice %arg6[%dma_wait3A, %scan3A_13, %dma_wait3A_20] : memref<2x80x125xi32, #tpu.memory_space<vmem>> -> memref<1x1x125xi32, #tpu.memory_space<vmem>>
      %dma_wait3A_22 = tpu.memref_squeeze %dma_wait3A_21 : memref<1x1x125xi32, #tpu.memory_space<vmem>> -> memref<125xi32, #tpu.memory_space<vmem>>
      %dma_wait3A_23 = arith.constant 0 : i32
      %dma_wait3A_24 = arith.constant 0 : i32
      %dma_wait3A_25 = tpu.memref_slice %arg2[%dma_wait3A_23, %dma_wait3A_24] : memref<10000x128xf32, #tpu.memory_space<hbm>> -> memref<10000x128xf32, #tpu.memory_space<hbm>>
      tpu.wait_indirect_dma semaphore(%arg9 : memref<!tpu.dma_semaphore, #tpu.memory_space<semaphore_mem>>) src(%dma_wait3A_25 : memref<10000x128xf32, #tpu.memory_space<hbm>>) dst(%arg7 : memref<125x128xf32, #tpu.memory_space<vmem>>)
      %run_scoped3A = arith.constant 1 : i32
      "tpu.region"() ({
        %run_scoped3A_26 = tpu.sem_alloc : memref<!tpu.dma_semaphore, #tpu.memory_space<semaphore_mem>>
        %dma_start3A_27 = arith.constant 0 : i32
        %dma_start3A_28 = tpu.memref_slice %arg6[%run_scoped3A, %scan3A_13, %dma_start3A_27] : memref<2x80x125xi32, #tpu.memory_space<vmem>> -> memref<1x1x125xi32, #tpu.memory_space<vmem>>
        %dma_start3A_29 = tpu.memref_squeeze %dma_start3A_28 : memref<1x1x125xi32, #tpu.memory_space<vmem>> -> memref<125xi32, #tpu.memory_space<vmem>>
        %dma_start3A_30 = arith.constant 0 : i32
        %dma_start3A_31 = arith.constant 0 : i32
        %dma_start3A_32 = tpu.memref_slice %arg8[%dma_start3A_30, %dma_start3A_31] : memref<10240x128xf32, #tpu.memory_space<vmem_shared>> -> memref<10240x128xf32, #tpu.memory_space<vmem_shared>>
        tpu.enqueue_indirect_dma source(%arg7 : memref<125x128xf32, #tpu.memory_space<vmem>>) target(%dma_start3A_32 : memref<10240x128xf32, #tpu.memory_space<vmem_shared>>) offsets(%dma_start3A_29 : memref<125xi32, #tpu.memory_space<vmem>>) semaphore(%run_scoped3A_26 : memref<!tpu.dma_semaphore, #tpu.memory_space<semaphore_mem>>) {add = true}
        %dma_wait3A_33 = arith.constant 0 : i32
        %dma_wait3A_34 = tpu.memref_slice %arg6[%run_scoped3A, %scan3A_13, %dma_wait3A_33] : memref<2x80x125xi32, #tpu.memory_space<vmem>> -> memref<1x1x125xi32, #tpu.memory_space<vmem>>
        %dma_wait3A_35 = tpu.memref_squeeze %dma_wait3A_34 : memref<1x1x125xi32, #tpu.memory_space<vmem>> -> memref<125xi32, #tpu.memory_space<vmem>>
        %dma_wait3A_36 = arith.constant 0 : i32
        %dma_wait3A_37 = arith.constant 0 : i32
        %dma_wait3A_38 = tpu.memref_slice %arg8[%dma_wait3A_36, %dma_wait3A_37] : memref<10240x128xf32, #tpu.memory_space<vmem_shared>> -> memref<10240x128xf32, #tpu.memory_space<vmem_shared>>
        tpu.wait_indirect_dma semaphore(%run_scoped3A_26 : memref<!tpu.dma_semaphore, #tpu.memory_space<semaphore_mem>>) src(%arg7 : memref<125x128xf32, #tpu.memory_space<vmem>>) dst(%dma_wait3A_38 : memref<10240x128xf32, #tpu.memory_space<vmem_shared>>)
        tpu.yield
      }) : () -> ()
    }
    %scan3A_7 = arith.constant 80 : i32
    %barrier3A_8 = arith.constant 0 : index
    tpu.barrier barrier_id(%barrier3A_8)
    %mul3A_9 = arith.constant 640 : i32
    %mul3A_10 = arith.muli %arg1, %mul3A_9 : i32
    %mul3A_11 = arith.constant 640 : i32
    %mul3A_12 = arith.muli %arg1, %mul3A_11 : i32
    "tpu.region"() ({
      %run_scoped3A = tpu.sem_alloc : memref<!tpu.dma_semaphore, #tpu.memory_space<semaphore_mem>>
      %dma_start3A = arith.constant 0 : i32
      %dma_start3A_13 = tpu.memref_slice %arg5[%arg0, %mul3A_12, %dma_start3A] : memref<2x10240x128xf32, #tpu.memory_space<hbm>> -> memref<1x640x128xf32, #tpu.memory_space<hbm>>
      %dma_start3A_14 = tpu.memref_squeeze %dma_start3A_13 : memref<1x640x128xf32, #tpu.memory_space<hbm>> -> memref<640x128xf32, #tpu.memory_space<hbm>>
      %dma_start3A_15 = arith.constant 0 : i32
      %dma_start3A_16 = tpu.memref_slice %arg8[%mul3A_10, %dma_start3A_15] : memref<10240x128xf32, #tpu.memory_space<vmem_shared>> -> memref<640x128xf32, #tpu.memory_space<vmem_shared>>
      tpu.enqueue_dma source(%dma_start3A_16 : memref<640x128xf32, #tpu.memory_space<vmem_shared>>) target(%dma_start3A_14 : memref<640x128xf32, #tpu.memory_space<hbm>>) target_semaphore(%run_scoped3A : memref<!tpu.dma_semaphore, #tpu.memory_space<semaphore_mem>>)
      %dma_wait3A = arith.constant 0 : i32
      %dma_wait3A_17 = tpu.memref_slice %arg5[%arg0, %mul3A_12, %dma_wait3A] : memref<2x10240x128xf32, #tpu.memory_space<hbm>> -> memref<1x640x128xf32, #tpu.memory_space<hbm>>
      %dma_wait3A_18 = tpu.memref_squeeze %dma_wait3A_17 : memref<1x640x128xf32, #tpu.memory_space<hbm>> -> memref<640x128xf32, #tpu.memory_space<hbm>>
      %dma_wait3A_19 = arith.constant 0 : i32
      %dma_wait3A_20 = tpu.memref_slice %arg8[%mul3A_10, %dma_wait3A_19] : memref<10240x128xf32, #tpu.memory_space<vmem_shared>> -> memref<640x128xf32, #tpu.memory_space<vmem_shared>>
      tpu.wait_dma2 semaphore(%run_scoped3A : memref<!tpu.dma_semaphore, #tpu.memory_space<semaphore_mem>>) src(%dma_wait3A_20 : memref<640x128xf32, #tpu.memory_space<vmem_shared>>) dst(%dma_wait3A_18 : memref<640x128xf32, #tpu.memory_space<hbm>>)
      tpu.yield
    }) : () -> ()
    return
  }
}

#map = affine_map<(d0, d1) -> (0, 0, 0)>
#map1 = affine_map<(d0, d1) -> (0, 0)>
module attributes {stable_mosaic.version = 14 : i64} {
  func.func @_sc_degree(%arg0: i32, %arg1: i32, %arg2: memref<32x80x125xi32, #tpu.memory_space<hbm>>, %arg3: memref<125x128xf32, #tpu.memory_space<hbm>>, %arg4: memref<640x128xf32, #tpu.memory_space<hbm>>, %arg5: memref<2x10240x128xf32, #tpu.memory_space<hbm>>, %arg6: memref<80x125xi32, #tpu.memory_space<vmem>>, %arg7: memref<125x128xf32, #tpu.memory_space<vmem>>, %arg8: memref<10240x128xf32, #tpu.memory_space<vmem_shared>>) attributes {dimension_semantics = [#tpu.dimension_semantics<core_parallel>, #tpu.dimension_semantics<subcore_parallel>], iteration_bounds = array<i64: 2, 16>, scalar_prefetch = 0 : i64, scratch_operands = 3 : i64, tpu.core_type = #tpu.core_type<sc_vector_subcore>, window_params = [{transform_indices = #map}, {transform_indices = #map1}, {transform_indices = #map1}, {transform_indices = #map}]} {
    %mul3A = arith.constant 16 : i32
    %mul3A_0 = arith.muli %arg0, %mul3A : i32
    %add3A = arith.addi %mul3A_0, %arg1 : i32
    %mul3A_1 = arith.constant 640 : i32
    %mul3A_2 = arith.muli %arg1, %mul3A_1 : i32
    "tpu.region"() ({
      %run_scoped3A = tpu.sem_alloc : memref<!tpu.dma_semaphore, #tpu.memory_space<semaphore_mem>>
      %dma_start3A = arith.constant 0 : i32
      %dma_start3A_13 = tpu.memref_slice %arg8[%mul3A_2, %dma_start3A] : memref<10240x128xf32, #tpu.memory_space<vmem_shared>> -> memref<640x128xf32, #tpu.memory_space<vmem_shared>>
      tpu.enqueue_dma source(%arg4 : memref<640x128xf32, #tpu.memory_space<hbm>>) target(%dma_start3A_13 : memref<640x128xf32, #tpu.memory_space<vmem_shared>>) target_semaphore(%run_scoped3A : memref<!tpu.dma_semaphore, #tpu.memory_space<semaphore_mem>>)
      %dma_wait3A = arith.constant 0 : i32
      %dma_wait3A_14 = tpu.memref_slice %arg8[%mul3A_2, %dma_wait3A] : memref<10240x128xf32, #tpu.memory_space<vmem_shared>> -> memref<640x128xf32, #tpu.memory_space<vmem_shared>>
      tpu.wait_dma2 semaphore(%run_scoped3A : memref<!tpu.dma_semaphore, #tpu.memory_space<semaphore_mem>>) src(%arg4 : memref<640x128xf32, #tpu.memory_space<hbm>>) dst(%dma_wait3A_14 : memref<640x128xf32, #tpu.memory_space<vmem_shared>>)
      tpu.yield
    }) : () -> ()
    "tpu.region"() ({
      %run_scoped3A = tpu.sem_alloc : memref<!tpu.dma_semaphore, #tpu.memory_space<semaphore_mem>>
      %dma_start3A = arith.constant 0 : i32
      %dma_start3A_13 = arith.constant 0 : i32
      %dma_start3A_14 = tpu.memref_slice %arg2[%add3A, %dma_start3A, %dma_start3A_13] : memref<32x80x125xi32, #tpu.memory_space<hbm>> -> memref<1x80x125xi32, #tpu.memory_space<hbm>>
      %dma_start3A_15 = tpu.memref_squeeze %dma_start3A_14 : memref<1x80x125xi32, #tpu.memory_space<hbm>> -> memref<80x125xi32, #tpu.memory_space<hbm>>
      %dma_start3A_16 = arith.constant 0 : i32
      %dma_start3A_17 = arith.constant 0 : i32
      %dma_start3A_18 = tpu.memref_slice %arg2[%add3A, %dma_start3A_16, %dma_start3A_17] : memref<32x80x125xi32, #tpu.memory_space<hbm>> -> memref<1x80x125xi32, #tpu.memory_space<hbm>>
      %dma_start3A_19 = tpu.memref_squeeze %dma_start3A_18 : memref<1x80x125xi32, #tpu.memory_space<hbm>> -> memref<80x125xi32, #tpu.memory_space<hbm>>
      tpu.enqueue_dma source(%dma_start3A_19 : memref<80x125xi32, #tpu.memory_space<hbm>>) target(%arg6 : memref<80x125xi32, #tpu.memory_space<vmem>>) target_semaphore(%run_scoped3A : memref<!tpu.dma_semaphore, #tpu.memory_space<semaphore_mem>>)
      %dma_wait3A = arith.constant 0 : i32
      %dma_wait3A_20 = arith.constant 0 : i32
      %dma_wait3A_21 = tpu.memref_slice %arg2[%add3A, %dma_wait3A, %dma_wait3A_20] : memref<32x80x125xi32, #tpu.memory_space<hbm>> -> memref<1x80x125xi32, #tpu.memory_space<hbm>>
      %dma_wait3A_22 = tpu.memref_squeeze %dma_wait3A_21 : memref<1x80x125xi32, #tpu.memory_space<hbm>> -> memref<80x125xi32, #tpu.memory_space<hbm>>
      %dma_wait3A_23 = arith.constant 0 : i32
      %dma_wait3A_24 = arith.constant 0 : i32
      %dma_wait3A_25 = tpu.memref_slice %arg2[%add3A, %dma_wait3A_23, %dma_wait3A_24] : memref<32x80x125xi32, #tpu.memory_space<hbm>> -> memref<1x80x125xi32, #tpu.memory_space<hbm>>
      %dma_wait3A_26 = tpu.memref_squeeze %dma_wait3A_25 : memref<1x80x125xi32, #tpu.memory_space<hbm>> -> memref<80x125xi32, #tpu.memory_space<hbm>>
      tpu.wait_dma2 semaphore(%run_scoped3A : memref<!tpu.dma_semaphore, #tpu.memory_space<semaphore_mem>>) src(%dma_wait3A_26 : memref<80x125xi32, #tpu.memory_space<hbm>>) dst(%arg6 : memref<80x125xi32, #tpu.memory_space<vmem>>)
      tpu.yield
    }) : () -> ()
    "tpu.region"() ({
      %run_scoped3A = tpu.sem_alloc : memref<!tpu.dma_semaphore, #tpu.memory_space<semaphore_mem>>
      tpu.enqueue_dma source(%arg3 : memref<125x128xf32, #tpu.memory_space<hbm>>) target(%arg7 : memref<125x128xf32, #tpu.memory_space<vmem>>) target_semaphore(%run_scoped3A : memref<!tpu.dma_semaphore, #tpu.memory_space<semaphore_mem>>)
      tpu.wait_dma2 semaphore(%run_scoped3A : memref<!tpu.dma_semaphore, #tpu.memory_space<semaphore_mem>>) src(%arg3 : memref<125x128xf32, #tpu.memory_space<hbm>>) dst(%arg7 : memref<125x128xf32, #tpu.memory_space<vmem>>)
      tpu.yield
    }) : () -> ()
    %barrier3A = arith.constant 0 : index
    tpu.barrier barrier_id(%barrier3A)
    %scan3A = arith.constant 0 : i32
    %scan3A_3 = arith.constant 0 : i32
    %scan3A_4 = arith.constant 80 : i32
    %scan3A_5 = arith.addi %scan3A_3, %scan3A_4 : i32
    %scan3A_6 = arith.constant 1 : i32
    scf.for %scan3A_13 = %scan3A_3 to %scan3A_5 step %scan3A_6  : i32 {
      "tpu.region"() ({
        %run_scoped3A = tpu.sem_alloc : memref<!tpu.dma_semaphore, #tpu.memory_space<semaphore_mem>>
        %dma_start3A = arith.constant 0 : i32
        %dma_start3A_14 = tpu.memref_slice %arg6[%scan3A_13, %dma_start3A] : memref<80x125xi32, #tpu.memory_space<vmem>> -> memref<1x125xi32, #tpu.memory_space<vmem>>
        %dma_start3A_15 = tpu.memref_squeeze %dma_start3A_14 : memref<1x125xi32, #tpu.memory_space<vmem>> -> memref<125xi32, #tpu.memory_space<vmem>>
        %dma_start3A_16 = arith.constant 0 : i32
        %dma_start3A_17 = arith.constant 0 : i32
        %dma_start3A_18 = tpu.memref_slice %arg8[%dma_start3A_16, %dma_start3A_17] : memref<10240x128xf32, #tpu.memory_space<vmem_shared>> -> memref<10240x128xf32, #tpu.memory_space<vmem_shared>>
        tpu.enqueue_indirect_dma source(%arg7 : memref<125x128xf32, #tpu.memory_space<vmem>>) target(%dma_start3A_18 : memref<10240x128xf32, #tpu.memory_space<vmem_shared>>) offsets(%dma_start3A_15 : memref<125xi32, #tpu.memory_space<vmem>>) semaphore(%run_scoped3A : memref<!tpu.dma_semaphore, #tpu.memory_space<semaphore_mem>>) {add = true}
        %dma_wait3A = arith.constant 0 : i32
        %dma_wait3A_19 = tpu.memref_slice %arg6[%scan3A_13, %dma_wait3A] : memref<80x125xi32, #tpu.memory_space<vmem>> -> memref<1x125xi32, #tpu.memory_space<vmem>>
        %dma_wait3A_20 = tpu.memref_squeeze %dma_wait3A_19 : memref<1x125xi32, #tpu.memory_space<vmem>> -> memref<125xi32, #tpu.memory_space<vmem>>
        %dma_wait3A_21 = arith.constant 0 : i32
        %dma_wait3A_22 = arith.constant 0 : i32
        %dma_wait3A_23 = tpu.memref_slice %arg8[%dma_wait3A_21, %dma_wait3A_22] : memref<10240x128xf32, #tpu.memory_space<vmem_shared>> -> memref<10240x128xf32, #tpu.memory_space<vmem_shared>>
        tpu.wait_indirect_dma semaphore(%run_scoped3A : memref<!tpu.dma_semaphore, #tpu.memory_space<semaphore_mem>>) src(%arg7 : memref<125x128xf32, #tpu.memory_space<vmem>>) dst(%dma_wait3A_23 : memref<10240x128xf32, #tpu.memory_space<vmem_shared>>)
        tpu.yield
      }) : () -> ()
    }
    %scan3A_7 = arith.constant 80 : i32
    %barrier3A_8 = arith.constant 0 : index
    tpu.barrier barrier_id(%barrier3A_8)
    %mul3A_9 = arith.constant 640 : i32
    %mul3A_10 = arith.muli %arg1, %mul3A_9 : i32
    %mul3A_11 = arith.constant 640 : i32
    %mul3A_12 = arith.muli %arg1, %mul3A_11 : i32
    "tpu.region"() ({
      %run_scoped3A = tpu.sem_alloc : memref<!tpu.dma_semaphore, #tpu.memory_space<semaphore_mem>>
      %dma_start3A = arith.constant 0 : i32
      %dma_start3A_13 = tpu.memref_slice %arg5[%arg0, %mul3A_12, %dma_start3A] : memref<2x10240x128xf32, #tpu.memory_space<hbm>> -> memref<1x640x128xf32, #tpu.memory_space<hbm>>
      %dma_start3A_14 = tpu.memref_squeeze %dma_start3A_13 : memref<1x640x128xf32, #tpu.memory_space<hbm>> -> memref<640x128xf32, #tpu.memory_space<hbm>>
      %dma_start3A_15 = arith.constant 0 : i32
      %dma_start3A_16 = tpu.memref_slice %arg8[%mul3A_10, %dma_start3A_15] : memref<10240x128xf32, #tpu.memory_space<vmem_shared>> -> memref<640x128xf32, #tpu.memory_space<vmem_shared>>
      tpu.enqueue_dma source(%dma_start3A_16 : memref<640x128xf32, #tpu.memory_space<vmem_shared>>) target(%dma_start3A_14 : memref<640x128xf32, #tpu.memory_space<hbm>>) target_semaphore(%run_scoped3A : memref<!tpu.dma_semaphore, #tpu.memory_space<semaphore_mem>>)
      %dma_wait3A = arith.constant 0 : i32
      %dma_wait3A_17 = tpu.memref_slice %arg5[%arg0, %mul3A_12, %dma_wait3A] : memref<2x10240x128xf32, #tpu.memory_space<hbm>> -> memref<1x640x128xf32, #tpu.memory_space<hbm>>
      %dma_wait3A_18 = tpu.memref_squeeze %dma_wait3A_17 : memref<1x640x128xf32, #tpu.memory_space<hbm>> -> memref<640x128xf32, #tpu.memory_space<hbm>>
      %dma_wait3A_19 = arith.constant 0 : i32
      %dma_wait3A_20 = tpu.memref_slice %arg8[%mul3A_10, %dma_wait3A_19] : memref<10240x128xf32, #tpu.memory_space<vmem_shared>> -> memref<640x128xf32, #tpu.memory_space<vmem_shared>>
      tpu.wait_dma2 semaphore(%run_scoped3A : memref<!tpu.dma_semaphore, #tpu.memory_space<semaphore_mem>>) src(%dma_wait3A_20 : memref<640x128xf32, #tpu.memory_space<vmem_shared>>) dst(%dma_wait3A_18 : memref<640x128xf32, #tpu.memory_space<hbm>>)
      tpu.yield
    }) : () -> ()
    return
  }
}

#map = affine_map<(d0, d1) -> (0, 0)>
#map1 = affine_map<(d0, d1) -> (0, 0, 0, 0)>
#map2 = affine_map<(d0, d1) -> (0, 0, 0)>
module attributes {stable_mosaic.version = 14 : i64} {
  func.func @_sc_scatter(%arg0: i32, %arg1: i32, %arg2: memref<10000x128xf32, #tpu.memory_space<hbm>>, %arg3: memref<32x2x80x125xi32, #tpu.memory_space<hbm>>, %arg4: memref<640x128xf32, #tpu.memory_space<hbm>>, %arg5: memref<2x10240x128xf32, #tpu.memory_space<hbm>>, %arg6: memref<2x80x125xi32, #tpu.memory_space<vmem>>, %arg7: memref<125x128xf32, #tpu.memory_space<vmem>>, %arg8: memref<10240x128xf32, #tpu.memory_space<vmem_shared>>, %arg9: memref<!tpu.dma_semaphore, #tpu.memory_space<semaphore_mem>>) attributes {dimension_semantics = [#tpu.dimension_semantics<core_parallel>, #tpu.dimension_semantics<subcore_parallel>], iteration_bounds = array<i64: 2, 16>, scalar_prefetch = 0 : i64, scratch_operands = 4 : i64, tpu.core_type = #tpu.core_type<sc_vector_subcore>, window_params = [{transform_indices = #map}, {transform_indices = #map1}, {transform_indices = #map}, {transform_indices = #map2}]} {
    %mul3A = arith.constant 16 : i32
    %mul3A_0 = arith.muli %arg0, %mul3A : i32
    %add3A = arith.addi %mul3A_0, %arg1 : i32
    %mul3A_1 = arith.constant 640 : i32
    %mul3A_2 = arith.muli %arg1, %mul3A_1 : i32
    "tpu.region"() ({
      %run_scoped3A = tpu.sem_alloc : memref<!tpu.dma_semaphore, #tpu.memory_space<semaphore_mem>>
      %dma_start3A = arith.constant 0 : i32
      %dma_start3A_13 = tpu.memref_slice %arg8[%mul3A_2, %dma_start3A] : memref<10240x128xf32, #tpu.memory_space<vmem_shared>> -> memref<640x128xf32, #tpu.memory_space<vmem_shared>>
      tpu.enqueue_dma source(%arg4 : memref<640x128xf32, #tpu.memory_space<hbm>>) target(%dma_start3A_13 : memref<640x128xf32, #tpu.memory_space<vmem_shared>>) target_semaphore(%run_scoped3A : memref<!tpu.dma_semaphore, #tpu.memory_space<semaphore_mem>>)
      %dma_wait3A = arith.constant 0 : i32
      %dma_wait3A_14 = tpu.memref_slice %arg8[%mul3A_2, %dma_wait3A] : memref<10240x128xf32, #tpu.memory_space<vmem_shared>> -> memref<640x128xf32, #tpu.memory_space<vmem_shared>>
      tpu.wait_dma2 semaphore(%run_scoped3A : memref<!tpu.dma_semaphore, #tpu.memory_space<semaphore_mem>>) src(%arg4 : memref<640x128xf32, #tpu.memory_space<hbm>>) dst(%dma_wait3A_14 : memref<640x128xf32, #tpu.memory_space<vmem_shared>>)
      tpu.yield
    }) : () -> ()
    "tpu.region"() ({
      %run_scoped3A = tpu.sem_alloc : memref<!tpu.dma_semaphore, #tpu.memory_space<semaphore_mem>>
      %dma_start3A = arith.constant 0 : i32
      %dma_start3A_13 = arith.constant 0 : i32
      %dma_start3A_14 = arith.constant 0 : i32
      %dma_start3A_15 = tpu.memref_slice %arg3[%add3A, %dma_start3A, %dma_start3A_13, %dma_start3A_14] : memref<32x2x80x125xi32, #tpu.memory_space<hbm>> -> memref<1x2x80x125xi32, #tpu.memory_space<hbm>>
      %dma_start3A_16 = tpu.memref_squeeze %dma_start3A_15 : memref<1x2x80x125xi32, #tpu.memory_space<hbm>> -> memref<2x80x125xi32, #tpu.memory_space<hbm>>
      %dma_start3A_17 = arith.constant 0 : i32
      %dma_start3A_18 = arith.constant 0 : i32
      %dma_start3A_19 = arith.constant 0 : i32
      %dma_start3A_20 = tpu.memref_slice %arg3[%add3A, %dma_start3A_17, %dma_start3A_18, %dma_start3A_19] : memref<32x2x80x125xi32, #tpu.memory_space<hbm>> -> memref<1x2x80x125xi32, #tpu.memory_space<hbm>>
      %dma_start3A_21 = tpu.memref_squeeze %dma_start3A_20 : memref<1x2x80x125xi32, #tpu.memory_space<hbm>> -> memref<2x80x125xi32, #tpu.memory_space<hbm>>
      tpu.enqueue_dma source(%dma_start3A_21 : memref<2x80x125xi32, #tpu.memory_space<hbm>>) target(%arg6 : memref<2x80x125xi32, #tpu.memory_space<vmem>>) target_semaphore(%run_scoped3A : memref<!tpu.dma_semaphore, #tpu.memory_space<semaphore_mem>>)
      %dma_wait3A = arith.constant 0 : i32
      %dma_wait3A_22 = arith.constant 0 : i32
      %dma_wait3A_23 = arith.constant 0 : i32
      %dma_wait3A_24 = tpu.memref_slice %arg3[%add3A, %dma_wait3A, %dma_wait3A_22, %dma_wait3A_23] : memref<32x2x80x125xi32, #tpu.memory_space<hbm>> -> memref<1x2x80x125xi32, #tpu.memory_space<hbm>>
      %dma_wait3A_25 = tpu.memref_squeeze %dma_wait3A_24 : memref<1x2x80x125xi32, #tpu.memory_space<hbm>> -> memref<2x80x125xi32, #tpu.memory_space<hbm>>
      %dma_wait3A_26 = arith.constant 0 : i32
      %dma_wait3A_27 = arith.constant 0 : i32
      %dma_wait3A_28 = arith.constant 0 : i32
      %dma_wait3A_29 = tpu.memref_slice %arg3[%add3A, %dma_wait3A_26, %dma_wait3A_27, %dma_wait3A_28] : memref<32x2x80x125xi32, #tpu.memory_space<hbm>> -> memref<1x2x80x125xi32, #tpu.memory_space<hbm>>
      %dma_wait3A_30 = tpu.memref_squeeze %dma_wait3A_29 : memref<1x2x80x125xi32, #tpu.memory_space<hbm>> -> memref<2x80x125xi32, #tpu.memory_space<hbm>>
      tpu.wait_dma2 semaphore(%run_scoped3A : memref<!tpu.dma_semaphore, #tpu.memory_space<semaphore_mem>>) src(%dma_wait3A_30 : memref<2x80x125xi32, #tpu.memory_space<hbm>>) dst(%arg6 : memref<2x80x125xi32, #tpu.memory_space<vmem>>)
      tpu.yield
    }) : () -> ()
    %barrier3A = arith.constant 0 : index
    tpu.barrier barrier_id(%barrier3A)
    %scan3A = arith.constant 0 : i32
    %scan3A_3 = arith.constant 0 : i32
    %scan3A_4 = arith.constant 80 : i32
    %scan3A_5 = arith.addi %scan3A_3, %scan3A_4 : i32
    %scan3A_6 = arith.constant 1 : i32
    scf.for %scan3A_13 = %scan3A_3 to %scan3A_5 step %scan3A_6  : i32 {
      %dma_start3A = arith.constant 0 : i32
      %dma_start3A_14 = arith.constant 0 : i32
      %dma_start3A_15 = tpu.memref_slice %arg6[%dma_start3A, %scan3A_13, %dma_start3A_14] : memref<2x80x125xi32, #tpu.memory_space<vmem>> -> memref<1x1x125xi32, #tpu.memory_space<vmem>>
      %dma_start3A_16 = tpu.memref_squeeze %dma_start3A_15 : memref<1x1x125xi32, #tpu.memory_space<vmem>> -> memref<125xi32, #tpu.memory_space<vmem>>
      %dma_start3A_17 = arith.constant 0 : i32
      %dma_start3A_18 = arith.constant 0 : i32
      %dma_start3A_19 = tpu.memref_slice %arg2[%dma_start3A_17, %dma_start3A_18] : memref<10000x128xf32, #tpu.memory_space<hbm>> -> memref<10000x128xf32, #tpu.memory_space<hbm>>
      tpu.enqueue_indirect_dma source(%dma_start3A_19 : memref<10000x128xf32, #tpu.memory_space<hbm>>) target(%arg7 : memref<125x128xf32, #tpu.memory_space<vmem>>) offsets(%dma_start3A_16 : memref<125xi32, #tpu.memory_space<vmem>>) semaphore(%arg9 : memref<!tpu.dma_semaphore, #tpu.memory_space<semaphore_mem>>)
      %dma_wait3A = arith.constant 0 : i32
      %dma_wait3A_20 = arith.constant 0 : i32
      %dma_wait3A_21 = tpu.memref_slice %arg6[%dma_wait3A, %scan3A_13, %dma_wait3A_20] : memref<2x80x125xi32, #tpu.memory_space<vmem>> -> memref<1x1x125xi32, #tpu.memory_space<vmem>>
      %dma_wait3A_22 = tpu.memref_squeeze %dma_wait3A_21 : memref<1x1x125xi32, #tpu.memory_space<vmem>> -> memref<125xi32, #tpu.memory_space<vmem>>
      %dma_wait3A_23 = arith.constant 0 : i32
      %dma_wait3A_24 = arith.constant 0 : i32
      %dma_wait3A_25 = tpu.memref_slice %arg2[%dma_wait3A_23, %dma_wait3A_24] : memref<10000x128xf32, #tpu.memory_space<hbm>> -> memref<10000x128xf32, #tpu.memory_space<hbm>>
      tpu.wait_indirect_dma semaphore(%arg9 : memref<!tpu.dma_semaphore, #tpu.memory_space<semaphore_mem>>) src(%dma_wait3A_25 : memref<10000x128xf32, #tpu.memory_space<hbm>>) dst(%arg7 : memref<125x128xf32, #tpu.memory_space<vmem>>)
      %run_scoped3A = arith.constant 1 : i32
      "tpu.region"() ({
        %run_scoped3A_26 = tpu.sem_alloc : memref<!tpu.dma_semaphore, #tpu.memory_space<semaphore_mem>>
        %dma_start3A_27 = arith.constant 0 : i32
        %dma_start3A_28 = tpu.memref_slice %arg6[%run_scoped3A, %scan3A_13, %dma_start3A_27] : memref<2x80x125xi32, #tpu.memory_space<vmem>> -> memref<1x1x125xi32, #tpu.memory_space<vmem>>
        %dma_start3A_29 = tpu.memref_squeeze %dma_start3A_28 : memref<1x1x125xi32, #tpu.memory_space<vmem>> -> memref<125xi32, #tpu.memory_space<vmem>>
        %dma_start3A_30 = arith.constant 0 : i32
        %dma_start3A_31 = arith.constant 0 : i32
        %dma_start3A_32 = tpu.memref_slice %arg8[%dma_start3A_30, %dma_start3A_31] : memref<10240x128xf32, #tpu.memory_space<vmem_shared>> -> memref<10240x128xf32, #tpu.memory_space<vmem_shared>>
        tpu.enqueue_indirect_dma source(%arg7 : memref<125x128xf32, #tpu.memory_space<vmem>>) target(%dma_start3A_32 : memref<10240x128xf32, #tpu.memory_space<vmem_shared>>) offsets(%dma_start3A_29 : memref<125xi32, #tpu.memory_space<vmem>>) semaphore(%run_scoped3A_26 : memref<!tpu.dma_semaphore, #tpu.memory_space<semaphore_mem>>) {add = true}
        %dma_wait3A_33 = arith.constant 0 : i32
        %dma_wait3A_34 = tpu.memref_slice %arg6[%run_scoped3A, %scan3A_13, %dma_wait3A_33] : memref<2x80x125xi32, #tpu.memory_space<vmem>> -> memref<1x1x125xi32, #tpu.memory_space<vmem>>
        %dma_wait3A_35 = tpu.memref_squeeze %dma_wait3A_34 : memref<1x1x125xi32, #tpu.memory_space<vmem>> -> memref<125xi32, #tpu.memory_space<vmem>>
        %dma_wait3A_36 = arith.constant 0 : i32
        %dma_wait3A_37 = arith.constant 0 : i32
        %dma_wait3A_38 = tpu.memref_slice %arg8[%dma_wait3A_36, %dma_wait3A_37] : memref<10240x128xf32, #tpu.memory_space<vmem_shared>> -> memref<10240x128xf32, #tpu.memory_space<vmem_shared>>
        tpu.wait_indirect_dma semaphore(%run_scoped3A_26 : memref<!tpu.dma_semaphore, #tpu.memory_space<semaphore_mem>>) src(%arg7 : memref<125x128xf32, #tpu.memory_space<vmem>>) dst(%dma_wait3A_38 : memref<10240x128xf32, #tpu.memory_space<vmem_shared>>)
        tpu.yield
      }) : () -> ()
    }
    %scan3A_7 = arith.constant 80 : i32
    %barrier3A_8 = arith.constant 0 : index
    tpu.barrier barrier_id(%barrier3A_8)
    %mul3A_9 = arith.constant 640 : i32
    %mul3A_10 = arith.muli %arg1, %mul3A_9 : i32
    %mul3A_11 = arith.constant 640 : i32
    %mul3A_12 = arith.muli %arg1, %mul3A_11 : i32
    "tpu.region"() ({
      %run_scoped3A = tpu.sem_alloc : memref<!tpu.dma_semaphore, #tpu.memory_space<semaphore_mem>>
      %dma_start3A = arith.constant 0 : i32
      %dma_start3A_13 = tpu.memref_slice %arg5[%arg0, %mul3A_12, %dma_start3A] : memref<2x10240x128xf32, #tpu.memory_space<hbm>> -> memref<1x640x128xf32, #tpu.memory_space<hbm>>
      %dma_start3A_14 = tpu.memref_squeeze %dma_start3A_13 : memref<1x640x128xf32, #tpu.memory_space<hbm>> -> memref<640x128xf32, #tpu.memory_space<hbm>>
      %dma_start3A_15 = arith.constant 0 : i32
      %dma_start3A_16 = tpu.memref_slice %arg8[%mul3A_10, %dma_start3A_15] : memref<10240x128xf32, #tpu.memory_space<vmem_shared>> -> memref<640x128xf32, #tpu.memory_space<vmem_shared>>
      tpu.enqueue_dma source(%dma_start3A_16 : memref<640x128xf32, #tpu.memory_space<vmem_shared>>) target(%dma_start3A_14 : memref<640x128xf32, #tpu.memory_space<hbm>>) target_semaphore(%run_scoped3A : memref<!tpu.dma_semaphore, #tpu.memory_space<semaphore_mem>>)
      %dma_wait3A = arith.constant 0 : i32
      %dma_wait3A_17 = tpu.memref_slice %arg5[%arg0, %mul3A_12, %dma_wait3A] : memref<2x10240x128xf32, #tpu.memory_space<hbm>> -> memref<1x640x128xf32, #tpu.memory_space<hbm>>
      %dma_wait3A_18 = tpu.memref_squeeze %dma_wait3A_17 : memref<1x640x128xf32, #tpu.memory_space<hbm>> -> memref<640x128xf32, #tpu.memory_space<hbm>>
      %dma_wait3A_19 = arith.constant 0 : i32
      %dma_wait3A_20 = tpu.memref_slice %arg8[%mul3A_10, %dma_wait3A_19] : memref<10240x128xf32, #tpu.memory_space<vmem_shared>> -> memref<640x128xf32, #tpu.memory_space<vmem_shared>>
      tpu.wait_dma2 semaphore(%run_scoped3A : memref<!tpu.dma_semaphore, #tpu.memory_space<semaphore_mem>>) src(%dma_wait3A_20 : memref<640x128xf32, #tpu.memory_space<vmem_shared>>) dst(%dma_wait3A_18 : memref<640x128xf32, #tpu.memory_space<hbm>>)
      tpu.yield
    }) : () -> ()
    return
  }
}

module attributes {stable_mosaic.version = 14 : i64} {
  func.func @body(%arg0: memref<10000xf32, #tpu.memory_space<vmem>>, %arg1: memref<10000xf32, #tpu.memory_space<vmem>>, %arg2: memref<10000xf32, #tpu.memory_space<vmem>>) attributes {dimension_semantics = [], scalar_prefetch = 0 : i64, scratch_operands = 0 : i64, tpu.core_type = #tpu.core_type<tc>} {
    %get3A = arith.constant 0 : index
    %get3A_0 = vector.load %arg0[%get3A] : memref<10000xf32, #tpu.memory_space<vmem>>, vector<10000xf32>
    %get3A_1 = arith.constant 0 : index
    %get3A_2 = vector.load %arg1[%get3A_1] : memref<10000xf32, #tpu.memory_space<vmem>>, vector<10000xf32>
    %add3A = arith.addf %get3A_0, %get3A_2 : vector<10000xf32>
    %add3A_3 = arith.constant 1.000000e+00 : f32
    %add3A_4 = vector.broadcast %add3A_3 : f32 to vector<10000xf32>
    %add3A_5 = arith.addf %add3A, %add3A_4 : vector<10000xf32>
    %rsqrt3A = math.rsqrt %add3A_5 : vector<10000xf32>
    %swap3A = arith.constant 0 : index
    %swap3A_6 = vector.load %arg2[%swap3A] : memref<10000xf32, #tpu.memory_space<vmem>>, vector<10000xf32>
    tpu.vector_store %arg2[%swap3A], %rsqrt3A {strides = array<i32>} : memref<10000xf32, #tpu.memory_space<vmem>>, vector<10000xf32>,
    return
  }
}

module attributes {stable_mosaic.version = 14 : i64} {
  func.func @body(%arg0: i32, %arg1: memref<1000x128xf32, #tpu.memory_space<vmem>>, %arg2: memref<128x128xf32, #tpu.memory_space<vmem>>, %arg3: memref<1000x1xf32, #tpu.memory_space<vmem>>, %arg4: memref<1000x128xf32, #tpu.memory_space<vmem>>) attributes {dimension_semantics = [#tpu.dimension_semantics<arbitrary>], iteration_bounds = array<i64: 10>, scalar_prefetch = 0 : i64, scratch_operands = 0 : i64, tpu.core_type = #tpu.core_type<tc>, window_params = [{transform_indices = @transform_0, window_bounds = array<i64: 1000, 128>}, {pipeline_mode = #tpu.pipeline_mode<synchronous>, transform_indices = @transform_1, window_bounds = array<i64: 128, 128>}, {transform_indices = @transform_2, window_bounds = array<i64: 1000, 1>}, {transform_indices = @transform_3, window_bounds = array<i64: 1000, 128>}]} {
    %get3A = arith.constant 0 : index
    %get3A_0 = arith.constant 0 : index
    %get3A_1 = vector.load %arg1[%get3A, %get3A_0] : memref<1000x128xf32, #tpu.memory_space<vmem>>, vector<1000x128xf32>
    %get3A_2 = arith.constant 0 : index
    %get3A_3 = arith.constant 0 : index
    %get3A_4 = vector.load %arg2[%get3A_2, %get3A_3] : memref<128x128xf32, #tpu.memory_space<vmem>>, vector<128x128xf32>
    %dot_general3A = arith.constant dense<0.000000e+00> : vector<1000x128xf32>
    %dot_general3A_5 = tpu.matmul %get3A_1, %get3A_4, %dot_general3A {dimension_numbers = #tpu.dot_dimension_numbers<[1], [0], [0], [1], [0, 0, 1, 1], [], []>, transpose_lhs_hint = false} : vector<1000x128xf32>, vector<128x128xf32>, vector<1000x128xf32> -> vector<1000x128xf32>
    %get3A_6 = arith.constant 0 : index
    %get3A_7 = arith.constant 0 : index
    %get3A_8 = vector.load %arg3[%get3A_6, %get3A_7] : memref<1000x1xf32, #tpu.memory_space<vmem>>, vector<1000x1xf32>
    %mul3A = vector.broadcast %get3A_8 : vector<1000x1xf32> to vector<1000x128xf32>
    %mul3A_9 = arith.mulf %dot_general3A_5, %mul3A : vector<1000x128xf32>
    %swap3A = arith.constant 0 : index
    %swap3A_10 = arith.constant 0 : index
    %swap3A_11 = vector.load %arg4[%swap3A, %swap3A_10] : memref<1000x128xf32, #tpu.memory_space<vmem>>, vector<1000x128xf32>
    tpu.vector_store %arg4[%swap3A, %swap3A_10], %mul3A_9 {strides = array<i32>} : memref<1000x128xf32, #tpu.memory_space<vmem>>, vector<1000x128xf32>,
    return
  }
  func.func @transform_0(%arg0: i32) -> (i32, i32) {
    %c0_i32 = arith.constant 0 : i32
    %c0_i32_0 = arith.constant 0 : i32
    return %arg0, %c0_i32 : i32, i32
  }
  func.func @transform_1(%arg0: i32) -> (i32, i32) {
    %c0_i32 = arith.constant 0 : i32
    %c0_i32_0 = arith.constant 0 : i32
    %c0_i32_1 = arith.constant 0 : i32
    return %c0_i32, %c0_i32_0 : i32, i32
  }
  func.func @transform_2(%arg0: i32) -> (i32, i32) {
    %c0_i32 = arith.constant 0 : i32
    %c0_i32_0 = arith.constant 0 : i32
    return %arg0, %c0_i32 : i32, i32
  }
  func.func @transform_3(%arg0: i32) -> (i32, i32) {
    %c0_i32 = arith.constant 0 : i32
    %c0_i32_0 = arith.constant 0 : i32
    return %arg0, %c0_i32 : i32, i32
  }
}

module attributes {stable_mosaic.version = 14 : i64} {
  func.func @body(%arg0: i32, %arg1: memref<1000x128xf32, #tpu.memory_space<vmem>>, %arg2: memref<1000x128xf32, #tpu.memory_space<vmem>>, %arg3: memref<1000x128xf32, #tpu.memory_space<vmem>>, %arg4: memref<1000x1xf32, #tpu.memory_space<vmem>>, %arg5: memref<1x128xf32, #tpu.memory_space<vmem>>, %arg6: memref<128x128xf32, #tpu.memory_space<vmem>>, %arg7: memref<1000x128xf32, #tpu.memory_space<vmem>>) attributes {dimension_semantics = [#tpu.dimension_semantics<arbitrary>], iteration_bounds = array<i64: 10>, scalar_prefetch = 0 : i64, scratch_operands = 0 : i64, tpu.core_type = #tpu.core_type<tc>, window_params = [{transform_indices = @transform_0, window_bounds = array<i64: 1000, 128>}, {transform_indices = @transform_1, window_bounds = array<i64: 1000, 128>}, {transform_indices = @transform_2, window_bounds = array<i64: 1000, 128>}, {transform_indices = @transform_3, window_bounds = array<i64: 1000, 1>}, {pipeline_mode = #tpu.pipeline_mode<synchronous>, transform_indices = @transform_4, window_bounds = array<i64: 1, 128>}, {pipeline_mode = #tpu.pipeline_mode<synchronous>, transform_indices = @transform_5, window_bounds = array<i64: 128, 128>}, {transform_indices = @transform_6, window_bounds = array<i64: 1000, 128>}]} {
    %get3A = arith.constant 0 : index
    %get3A_0 = arith.constant 0 : index
    %get3A_1 = vector.load %arg1[%get3A, %get3A_0] : memref<1000x128xf32, #tpu.memory_space<vmem>>, vector<1000x128xf32>
    %get3A_2 = arith.constant 0 : index
    %get3A_3 = arith.constant 0 : index
    %get3A_4 = vector.load %arg2[%get3A_2, %get3A_3] : memref<1000x128xf32, #tpu.memory_space<vmem>>, vector<1000x128xf32>
    %add3A = arith.addf %get3A_1, %get3A_4 : vector<1000x128xf32>
    %get3A_5 = arith.constant 0 : index
    %get3A_6 = arith.constant 0 : index
    %get3A_7 = vector.load %arg3[%get3A_5, %get3A_6] : memref<1000x128xf32, #tpu.memory_space<vmem>>, vector<1000x128xf32>
    %add3A_8 = arith.addf %add3A, %get3A_7 : vector<1000x128xf32>
    %get3A_9 = arith.constant 0 : index
    %get3A_10 = arith.constant 0 : index
    %get3A_11 = vector.load %arg4[%get3A_9, %get3A_10] : memref<1000x1xf32, #tpu.memory_space<vmem>>, vector<1000x1xf32>
    %mul3A = vector.broadcast %get3A_11 : vector<1000x1xf32> to vector<1000x128xf32>
    %mul3A_12 = arith.mulf %add3A_8, %mul3A : vector<1000x128xf32>
    %get3A_13 = arith.constant 0 : index
    %get3A_14 = arith.constant 0 : index
    %get3A_15 = vector.load %arg5[%get3A_13, %get3A_14] : memref<1x128xf32, #tpu.memory_space<vmem>>, vector<1x128xf32>
    %add3A_16 = vector.broadcast %get3A_15 : vector<1x128xf32> to vector<1000x128xf32>
    %add3A_17 = arith.addf %mul3A_12, %add3A_16 : vector<1000x128xf32>
    %max3A = arith.constant 0.000000e+00 : f32
    %max3A_18 = vector.broadcast %max3A : f32 to vector<1000x128xf32>
    %max3A_19 = arith.maximumf %add3A_17, %max3A_18 : vector<1000x128xf32>
    %get3A_20 = arith.constant 0 : index
    %get3A_21 = arith.constant 0 : index
    %get3A_22 = vector.load %arg6[%get3A_20, %get3A_21] : memref<128x128xf32, #tpu.memory_space<vmem>>, vector<128x128xf32>
    %dot_general3A = arith.constant dense<0.000000e+00> : vector<1000x128xf32>
    %dot_general3A_23 = tpu.matmul %max3A_19, %get3A_22, %dot_general3A {dimension_numbers = #tpu.dot_dimension_numbers<[1], [0], [0], [1], [0, 0, 1, 1], [], []>, transpose_lhs_hint = false} : vector<1000x128xf32>, vector<128x128xf32>, vector<1000x128xf32> -> vector<1000x128xf32>
    %get3A_24 = arith.constant 0 : index
    %get3A_25 = arith.constant 0 : index
    %get3A_26 = vector.load %arg4[%get3A_24, %get3A_25] : memref<1000x1xf32, #tpu.memory_space<vmem>>, vector<1000x1xf32>
    %mul3A_27 = vector.broadcast %get3A_26 : vector<1000x1xf32> to vector<1000x128xf32>
    %mul3A_28 = arith.mulf %dot_general3A_23, %mul3A_27 : vector<1000x128xf32>
    %swap3A = arith.constant 0 : index
    %swap3A_29 = arith.constant 0 : index
    %swap3A_30 = vector.load %arg7[%swap3A, %swap3A_29] : memref<1000x128xf32, #tpu.memory_space<vmem>>, vector<1000x128xf32>
    tpu.vector_store %arg7[%swap3A, %swap3A_29], %mul3A_28 {strides = array<i32>} : memref<1000x128xf32, #tpu.memory_space<vmem>>, vector<1000x128xf32>,
    return
  }
  func.func @transform_0(%arg0: i32) -> (i32, i32) {
    %c0_i32 = arith.constant 0 : i32
    %c0_i32_0 = arith.constant 0 : i32
    return %arg0, %c0_i32 : i32, i32
  }
  func.func @transform_1(%arg0: i32) -> (i32, i32) {
    %c0_i32 = arith.constant 0 : i32
    %c0_i32_0 = arith.constant 0 : i32
    return %arg0, %c0_i32 : i32, i32
  }
  func.func @transform_2(%arg0: i32) -> (i32, i32) {
    %c0_i32 = arith.constant 0 : i32
    %c0_i32_0 = arith.constant 0 : i32
    return %arg0, %c0_i32 : i32, i32
  }
  func.func @transform_3(%arg0: i32) -> (i32, i32) {
    %c0_i32 = arith.constant 0 : i32
    %c0_i32_0 = arith.constant 0 : i32
    return %arg0, %c0_i32 : i32, i32
  }
  func.func @transform_4(%arg0: i32) -> (i32, i32) {
    %c0_i32 = arith.constant 0 : i32
    %c0_i32_0 = arith.constant 0 : i32
    %c0_i32_1 = arith.constant 0 : i32
    return %c0_i32, %c0_i32_0 : i32, i32
  }
  func.func @transform_5(%arg0: i32) -> (i32, i32) {
    %c0_i32 = arith.constant 0 : i32
    %c0_i32_0 = arith.constant 0 : i32
    %c0_i32_1 = arith.constant 0 : i32
    return %c0_i32, %c0_i32_0 : i32, i32
  }
  func.func @transform_6(%arg0: i32) -> (i32, i32) {
    %c0_i32 = arith.constant 0 : i32
    %c0_i32_0 = arith.constant 0 : i32
    return %arg0, %c0_i32 : i32, i32
  }
}

module attributes {stable_mosaic.version = 14 : i64} {
  func.func @body(%arg0: i32, %arg1: memref<1000x128xf32, #tpu.memory_space<vmem>>, %arg2: memref<1000x128xf32, #tpu.memory_space<vmem>>, %arg3: memref<1000x128xf32, #tpu.memory_space<vmem>>, %arg4: memref<1000x1xf32, #tpu.memory_space<vmem>>, %arg5: memref<1x128xf32, #tpu.memory_space<vmem>>, %arg6: memref<128x729xf32, #tpu.memory_space<vmem>>, %arg7: memref<1x729xf32, #tpu.memory_space<vmem>>, %arg8: memref<128x1xf32, #tpu.memory_space<vmem>>, %arg9: memref<1x1xf32, #tpu.memory_space<vmem>>, %arg10: memref<1x729xf32, #tpu.memory_space<vmem>>, %arg11: memref<1x1xf32, #tpu.memory_space<vmem>>, %arg12: memref<1x128xf32, #tpu.memory_space<vmem>>) attributes {dimension_semantics = [#tpu.dimension_semantics<arbitrary>], iteration_bounds = array<i64: 10>, scalar_prefetch = 0 : i64, scratch_operands = 1 : i64, tpu.core_type = #tpu.core_type<tc>, window_params = [{transform_indices = @transform_0, window_bounds = array<i64: 1000, 128>}, {transform_indices = @transform_1, window_bounds = array<i64: 1000, 128>}, {transform_indices = @transform_2, window_bounds = array<i64: 1000, 128>}, {transform_indices = @transform_3, window_bounds = array<i64: 1000, 1>}, {pipeline_mode = #tpu.pipeline_mode<synchronous>, transform_indices = @transform_4, window_bounds = array<i64: 1, 128>}, {pipeline_mode = #tpu.pipeline_mode<synchronous>, transform_indices = @transform_5, window_bounds = array<i64: 128, 729>}, {pipeline_mode = #tpu.pipeline_mode<synchronous>, transform_indices = @transform_6, window_bounds = array<i64: 1, 729>}, {pipeline_mode = #tpu.pipeline_mode<synchronous>, transform_indices = @transform_7, window_bounds = array<i64: 128, 1>}, {pipeline_mode = #tpu.pipeline_mode<synchronous>, transform_indices = @transform_8, window_bounds = array<i64: 1, 1>}, {pipeline_mode = #tpu.pipeline_mode<synchronous>, transform_indices = @transform_9, window_bounds = array<i64: 1, 729>}, {pipeline_mode = #tpu.pipeline_mode<synchronous>, transform_indices = @transform_10, window_bounds = array<i64: 1, 1>}]} {
    %get3A = arith.constant 0 : index
    %get3A_0 = arith.constant 0 : index
    %get3A_1 = vector.load %arg1[%get3A, %get3A_0] : memref<1000x128xf32, #tpu.memory_space<vmem>>, vector<1000x128xf32>
    %get3A_2 = arith.constant 0 : index
    %get3A_3 = arith.constant 0 : index
    %get3A_4 = vector.load %arg2[%get3A_2, %get3A_3] : memref<1000x128xf32, #tpu.memory_space<vmem>>, vector<1000x128xf32>
    %add3A = arith.addf %get3A_1, %get3A_4 : vector<1000x128xf32>
    %get3A_5 = arith.constant 0 : index
    %get3A_6 = arith.constant 0 : index
    %get3A_7 = vector.load %arg3[%get3A_5, %get3A_6] : memref<1000x128xf32, #tpu.memory_space<vmem>>, vector<1000x128xf32>
    %add3A_8 = arith.addf %add3A, %get3A_7 : vector<1000x128xf32>
    %get3A_9 = arith.constant 0 : index
    %get3A_10 = arith.constant 0 : index
    %get3A_11 = vector.load %arg4[%get3A_9, %get3A_10] : memref<1000x1xf32, #tpu.memory_space<vmem>>, vector<1000x1xf32>
    %mul3A = vector.broadcast %get3A_11 : vector<1000x1xf32> to vector<1000x128xf32>
    %mul3A_12 = arith.mulf %add3A_8, %mul3A : vector<1000x128xf32>
    %get3A_13 = arith.constant 0 : index
    %get3A_14 = arith.constant 0 : index
    %get3A_15 = vector.load %arg5[%get3A_13, %get3A_14] : memref<1x128xf32, #tpu.memory_space<vmem>>, vector<1x128xf32>
    %add3A_16 = vector.broadcast %get3A_15 : vector<1x128xf32> to vector<1000x128xf32>
    %add3A_17 = arith.addf %mul3A_12, %add3A_16 : vector<1000x128xf32>
    %max3A = arith.constant 0.000000e+00 : f32
    %max3A_18 = vector.broadcast %max3A : f32 to vector<1000x128xf32>
    %max3A_19 = arith.maximumf %add3A_17, %max3A_18 : vector<1000x128xf32>
    %reduce_sum3A = arith.constant dense<0.000000e+00> : vector<128xf32>
    %reduce_sum3A_20 = vector.multi_reduction <add>, %max3A_19, %reduce_sum3A [0] : vector<1000x128xf32> to vector<128xf32>
    %broadcast_in_dim3A = vector.shape_cast %reduce_sum3A_20 : vector<128xf32> to vector<1x128xf32>
    %eq3A = arith.constant 0 : i32
    %eq3A_21 = arith.cmpi eq, %arg0, %eq3A : i32
    %convert_element_type3A = arith.extui %eq3A_21 : i1 to i32
    %cond3A = arith.constant 0 : i32
    %cond3A_22 = arith.cmpi ne, %convert_element_type3A, %cond3A : i32
    scf.if %cond3A_22 {
      %swap3A = arith.constant 0 : index
      %swap3A_32 = arith.constant 0 : index
      %swap3A_33 = vector.load %arg12[%swap3A, %swap3A_32] : memref<1x128xf32, #tpu.memory_space<vmem>>, vector<1x128xf32>
      tpu.vector_store %arg12[%swap3A, %swap3A_32], %broadcast_in_dim3A {strides = array<i32>} : memref<1x128xf32, #tpu.memory_space<vmem>>, vector<1x128xf32>,
    } else {
    }
    %gt3A = arith.constant 0 : i32
    %gt3A_23 = arith.cmpi sgt, %arg0, %gt3A : i32
    %convert_element_type3A_24 = arith.extui %gt3A_23 : i1 to i32
    %cond3A_25 = arith.constant 0 : i32
    %cond3A_26 = arith.cmpi ne, %convert_element_type3A_24, %cond3A_25 : i32
    scf.if %cond3A_26 {
      %get3A_32 = arith.constant 0 : index
      %get3A_33 = arith.constant 0 : index
      %get3A_34 = vector.load %arg12[%get3A_32, %get3A_33] : memref<1x128xf32, #tpu.memory_space<vmem>>, vector<1x128xf32>
      %add3A_35 = arith.addf %get3A_34, %broadcast_in_dim3A : vector<1x128xf32>
      %swap3A = arith.constant 0 : index
      %swap3A_36 = arith.constant 0 : index
      %swap3A_37 = vector.load %arg12[%swap3A, %swap3A_36] : memref<1x128xf32, #tpu.memory_space<vmem>>, vector<1x128xf32>
      tpu.vector_store %arg12[%swap3A, %swap3A_36], %add3A_35 {strides = array<i32>} : memref<1x128xf32, #tpu.memory_space<vmem>>, vector<1x128xf32>,
    } else {
    }
    %eq3A_27 = arith.constant 9 : i32
    %eq3A_28 = arith.cmpi eq, %arg0, %eq3A_27 : i32
    %convert_element_type3A_29 = arith.extui %eq3A_28 : i1 to i32
    %cond3A_30 = arith.constant 0 : i32
    %cond3A_31 = arith.cmpi ne, %convert_element_type3A_29, %cond3A_30 : i32
    scf.if %cond3A_31 {
      %get3A_32 = arith.constant 0 : index
      %get3A_33 = arith.constant 0 : index
      %get3A_34 = vector.load %arg12[%get3A_32, %get3A_33] : memref<1x128xf32, #tpu.memory_space<vmem>>, vector<1x128xf32>
      %mul3A_35 = arith.constant 9.99999974E-5 : f32
      %mul3A_36 = vector.broadcast %mul3A_35 : f32 to vector<1x128xf32>
      %mul3A_37 = arith.mulf %get3A_34, %mul3A_36 : vector<1x128xf32>
      %get3A_38 = arith.constant 0 : index
      %get3A_39 = arith.constant 0 : index
      %get3A_40 = vector.load %arg6[%get3A_38, %get3A_39] : memref<128x729xf32, #tpu.memory_space<vmem>>, vector<128x729xf32>
      %dot_general3A = arith.constant dense<0.000000e+00> : vector<1x729xf32>
      %dot_general3A_41 = tpu.matmul %mul3A_37, %get3A_40, %dot_general3A {dimension_numbers = #tpu.dot_dimension_numbers<[1], [0], [0], [1], [0, 0, 1, 1], [], []>, transpose_lhs_hint = false} : vector<1x128xf32>, vector<128x729xf32>, vector<1x729xf32> -> vector<1x729xf32>
      %get3A_42 = arith.constant 0 : index
      %get3A_43 = arith.constant 0 : index
      %get3A_44 = vector.load %arg7[%get3A_42, %get3A_43] : memref<1x729xf32, #tpu.memory_space<vmem>>, vector<1x729xf32>
      %add3A_45 = arith.addf %dot_general3A_41, %get3A_44 : vector<1x729xf32>
      %swap3A = arith.constant 0 : index
      %swap3A_46 = arith.constant 0 : index
      %swap3A_47 = vector.load %arg10[%swap3A, %swap3A_46] : memref<1x729xf32, #tpu.memory_space<vmem>>, vector<1x729xf32>
      tpu.vector_store %arg10[%swap3A, %swap3A_46], %add3A_45 {strides = array<i32>} : memref<1x729xf32, #tpu.memory_space<vmem>>, vector<1x729xf32>,
      %get3A_48 = arith.constant 0 : index
      %get3A_49 = arith.constant 0 : index
      %get3A_50 = vector.load %arg8[%get3A_48, %get3A_49] : memref<128x1xf32, #tpu.memory_space<vmem>>, vector<128x1xf32>
      %dot_general3A_51 = arith.constant dense<0.000000e+00> : vector<1x1xf32>
      %dot_general3A_52 = tpu.matmul %mul3A_37, %get3A_50, %dot_general3A_51 {dimension_numbers = #tpu.dot_dimension_numbers<[1], [0], [0], [1], [0, 0, 1, 1], [], []>, transpose_lhs_hint = false} : vector<1x128xf32>, vector<128x1xf32>, vector<1x1xf32> -> vector<1x1xf32>
      %get3A_53 = arith.constant 0 : index
      %get3A_54 = arith.constant 0 : index
      %get3A_55 = vector.load %arg9[%get3A_53, %get3A_54] : memref<1x1xf32, #tpu.memory_space<vmem>>, vector<1x1xf32>
      %add3A_56 = arith.addf %dot_general3A_52, %get3A_55 : vector<1x1xf32>
      %swap3A_57 = arith.constant 0 : index
      %swap3A_58 = arith.constant 0 : index
      %swap3A_59 = vector.load %arg11[%swap3A_57, %swap3A_58] : memref<1x1xf32, #tpu.memory_space<vmem>>, vector<1x1xf32>
      tpu.vector_store %arg11[%swap3A_57, %swap3A_58], %add3A_56 {strides = array<i32>} : memref<1x1xf32, #tpu.memory_space<vmem>>, vector<1x1xf32>,
    } else {
    }
    return
  }
  func.func @transform_0(%arg0: i32) -> (i32, i32) {
    %c0_i32 = arith.constant 0 : i32
    %c0_i32_0 = arith.constant 0 : i32
    return %arg0, %c0_i32 : i32, i32
  }
  func.func @transform_1(%arg0: i32) -> (i32, i32) {
    %c0_i32 = arith.constant 0 : i32
    %c0_i32_0 = arith.constant 0 : i32
    return %arg0, %c0_i32 : i32, i32
  }
  func.func @transform_2(%arg0: i32) -> (i32, i32) {
    %c0_i32 = arith.constant 0 : i32
    %c0_i32_0 = arith.constant 0 : i32
    return %arg0, %c0_i32 : i32, i32
  }
  func.func @transform_3(%arg0: i32) -> (i32, i32) {
    %c0_i32 = arith.constant 0 : i32
    %c0_i32_0 = arith.constant 0 : i32
    return %arg0, %c0_i32 : i32, i32
  }
  func.func @transform_4(%arg0: i32) -> (i32, i32) {
    %c0_i32 = arith.constant 0 : i32
    %c0_i32_0 = arith.constant 0 : i32
    %c0_i32_1 = arith.constant 0 : i32
    return %c0_i32, %c0_i32_0 : i32, i32
  }
  func.func @transform_5(%arg0: i32) -> (i32, i32) {
    %c0_i32 = arith.constant 0 : i32
    %c0_i32_0 = arith.constant 0 : i32
    %c0_i32_1 = arith.constant 0 : i32
    return %c0_i32, %c0_i32_0 : i32, i32
  }
  func.func @transform_6(%arg0: i32) -> (i32, i32) {
    %c0_i32 = arith.constant 0 : i32
    %c0_i32_0 = arith.constant 0 : i32
    %c0_i32_1 = arith.constant 0 : i32
    return %c0_i32, %c0_i32_0 : i32, i32
  }
  func.func @transform_7(%arg0: i32) -> (i32, i32) {
    %c0_i32 = arith.constant 0 : i32
    %c0_i32_0 = arith.constant 0 : i32
    %c0_i32_1 = arith.constant 0 : i32
    return %c0_i32, %c0_i32_0 : i32, i32
  }
  func.func @transform_8(%arg0: i32) -> (i32, i32) {
    %c0_i32 = arith.constant 0 : i32
    %c0_i32_0 = arith.constant 0 : i32
    %c0_i32_1 = arith.constant 0 : i32
    return %c0_i32, %c0_i32_0 : i32, i32
  }
  func.func @transform_9(%arg0: i32) -> (i32, i32) {
    %c0_i32 = arith.constant 0 : i32
    %c0_i32_0 = arith.constant 0 : i32
    %c0_i32_1 = arith.constant 0 : i32
    return %c0_i32, %c0_i32_0 : i32, i32
  }
  func.func @transform_10(%arg0: i32) -> (i32, i32) {
    %c0_i32 = arith.constant 0 : i32
    %c0_i32_0 = arith.constant 0 : i32
    %c0_i32_1 = arith.constant 0 : i32
    return %c0_i32, %c0_i32_0 : i32, i32
  }
}

</mosaic_0001>

<sc_bundles>
// kernel: kernel.11.cloned.1.call-start
scs
__scs_entry_jumppad:
0x0: {  	(pc) =	sbr.rel $0x88, $3  }
0x1: {  	(tag) =	ssettag $0x0;
	lr =	simm.s32 $0x1  }
0x2: {  	[smem:$0x3F95] =	sst lr;
	_ =	strace $0xD0000000  }
0x3: {  	_ = 	snop  }
0x4: {  	_ = 	snop  }
0x5: {  	_ = 	snop  }
0x6: {  	_ = 	snop  }
0x7: {  	_ = 	snop  }
__scs_overlays_trampoline_lowered:
0x8: {  	[smem:$0x3FA4] =	sst s0  }
0x9: {  	[smem:$0x3FA5] =	sst s1  }
0xa: {  	[smem:$0x3FA6] =	sst s2  }
0xb: {  	[smem:$0x3FA7] =	sst s3  }
0xc: {  	[smem:$0x3FA8] =	sst s4  }
0xd: {  	[smem:$0x3FA9] =	sst s5  }
0xe: {  	[smem:$0x3FAA] =	sst s6  }
0xf: {  	[smem:$0x3FAB] =	sst s7  }
0x10: {  	[smem:$0x3FAC] =	sst s8  }
0x11: {  	[smem:$0x3FAD] =	sst s9;
	s0 =	simm.s32 @!p0 $0x0  }
0x12: {  	s1 =	sld [smem:$0x3F93];
	s0 =	simm.s32 @p0 $0x1  }
0x13: {  	[smem:$0x3FAE] =	sst s0;
	s0 =	simm.s32 @!p1 $0x0  }
0x14: {  	s2 =	sld [smem:$0x3F92];
	s0 =	simm.s32 @p1 $0x1  }
0x15: {  	[smem:$0x3FAF] =	sst s0;
	s0 =	simm.s32 @!p2 $0x0  }
0x16: {  	s3 =	sld [smem:$0x3FDB];
	s0 =	simm.s32 @p2 $0x1  }
0x17: {  	s4 =	simm.s32 $0x1BF5;
	[smem:$0x3FB1] =	sst s0  }
0x18: {  	s0 =	sld [smem:$0x3F94];
	_ =	swait.ge [sflag:s4], $0x0  }
0x19: {  	s7 =	sld [smem:$0x3F95]  }
0x1a: {  	s8 =	sadd.s32 $0xFFFFE003, lr  }
0x1b: {  	s9 =	sadd.s32 $0xFFFFFEF7, lr;
	s5 =	simm.s32 $0xFFFFFFFF;
	p2 =	slt.u32 s8, $0xFFFFF086  }
0x1c: {  	p1 =	slt.u32 s9, $0xF7A;
	s5 =	simm.s32 @!p2 $0x0  }
0x1d: {  	s5 =	simm.s32 @p1 $0x1;
	p0 =	seq.s32 s7, s2  }
0x1e: {  	s7 =	smul.u32 @!p0 $0xF7A, s2;
	p2 =	seq.s32 @!p0 s5, $0x0  }
0x1f: {  	s9 =	smul.u32 $0xF7A, s1;
	s8 =	simm.s32 @!p0 $0x1BF5;
	p2 =	por !p2, p0  }
0x20: {  	[sflag:s8] =	ssyncset.s32 @!p0 $0xFFFFF086;
	s6 =	sadd.s32 @!p0 s3, s7;
	s7 =	simm.s32 @!p0 $0x108  }
0x21: {  	s3 =	sadd.s32 s3, s9;
	s6 =	sadd.s32 @!p0 $0x88, s6;
	s7 =	simm.s32 @p2 $0x1082  }
0x22: {  	[simem:s7], [sflag:s8] =	dma.local @!p0 [hbm:s6], $0xF7A  }
0x23: {  	s9 =	sor.u32 $0xD0000000, s2;
	s6 =	simm.s32 $0x108;
	_ =	swait.ge @!p0 [sflag:s8], $0x0  }
0x24: {  	s3 =	sadd.s32 $0x88, s3;
	s6 =	simm.s32 @!p1 $0x1082;
	[sflag:s4] =	ssyncset.s32 $0xFFFFF086  }
0x25: {  	[simem:s6], [sflag:s4] =	dma.local [hbm:s3], $0xF7A  }
0x26: {  	[smem:$0x3F95] =	sst s1;
	(tag) =	ssettag s2;
	_ =	strace s9  }
0x27: {  	s1 =	sld [smem:$0x3FA5]  }
0x28: {  	s2 =	sld [smem:$0x3FA6]  }
0x29: {  	s4 =	sld [smem:$0x3FA8]  }
0x2a: {  	p0 =	seq.s32 s5, $0x0;
	s5 =	sld [smem:$0x3FA9]  }
0x2b: {  	s6 =	sld [smem:$0x3FAA]  }
0x2c: {  	s7 =	sld [smem:$0x3FAB]  }
0x2d: {  	s3 =	simm.s32 $0x108;
	s8 =	sld [smem:$0x3FAC]  }
0x2e: {  	s3 =	simm.s32 @!p0 $0x1082;
	s9 =	sld [smem:$0x3FAD]  }
0x2f: {  	lr =	sadd.s32 s0, s3;
	s0 =	sld [smem:$0x3FA4]  }
0x30: {  	s3 =	sld [smem:$0x3FA7]  }
0x31: {  	[smem:$0x3FB0] =	sst s10  }
0x32: {  	s10 =	sld [smem:$0x3FAE];
	_ =	sdelay $0x3  }
0x33: {  	p0 =	seq.s32 s10, $0x1;
	s10 =	sld [smem:$0x3FB0];
	_ =	sdelay $0x3  }
0x34: {  	[smem:$0x3FB0] =	sst s10  }
0x35: {  	s10 =	sld [smem:$0x3FAF];
	_ =	sdelay $0x3  }
0x36: {  	p1 =	seq.s32 s10, $0x1;
	s10 =	sld [smem:$0x3FB0];
	_ =	sdelay $0x3  }
0x37: {  	[smem:$0x3FB0] =	sst s10  }
0x38: {  	s10 =	sld [smem:$0x3FB1]  }
0x39: {  	_ = 	snop;
	(pc) =	sbr.ind lr, $3  }
0x3a: {  	_ = 	snop  }
0x3b: {  	_ = 	snop  }
0x3c: {  	p2 =	seq.s32 s10, $0x1;
	s10 =	sld [smem:$0x3FB0]  }
0x3d: {  	_ =	shalt  }
0x3e: {  	_ =	shalt  }
0x3f: {  	_ =	shalt  }
0x40: {  	_ =	shalt  }
0x41: {  	_ =	shalt  }
0x42: {  	_ =	shalt  }
0x43: {  	_ =	shalt  }
0x44: {  	_ =	shalt  }
0x45: {  	_ =	shalt  }
0x46: {  	_ =	shalt  }
0x47: {  	_ =	shalt  }
0x48: {  	_ =	shalt  }
0x49: {  	_ =	shalt  }
0x4a: {  	_ =	shalt  }
0x4b: {  	_ =	shalt  }
0x4c: {  	_ =	shalt  }
0x4d: {  	_ =	shalt  }
0x4e: {  	_ =	shalt  }
0x4f: {  	_ =	shalt  }
0x50: {  	_ =	shalt  }
0x51: {  	_ =	shalt  }
0x52: {  	_ =	shalt  }
0x53: {  	_ =	shalt  }
0x54: {  	_ =	shalt  }
0x55: {  	_ =	shalt  }
0x56: {  	_ =	shalt  }
0x57: {  	_ =	shalt  }
0x58: {  	_ =	shalt  }
0x59: {  	_ =	shalt  }
0x5a: {  	_ =	shalt  }
0x5b: {  	_ =	shalt  }
0x5c: {  	_ =	shalt  }
0x5d: {  	_ =	shalt  }
0x5e: {  	_ =	shalt  }
0x5f: {  	_ =	shalt  }
0x60: {  	_ =	shalt  }
0x61: {  	_ =	shalt  }
0x62: {  	_ =	shalt  }
0x63: {  	_ =	shalt  }
0x64: {  	_ =	shalt  }
0x65: {  	_ =	shalt  }
0x66: {  	_ =	shalt  }
0x67: {  	_ =	shalt  }
0x68: {  	_ =	shalt  }
0x69: {  	_ =	shalt  }
0x6a: {  	_ =	shalt  }
0x6b: {  	_ =	shalt  }
0x6c: {  	_ =	shalt  }
0x6d: {  	_ =	shalt  }
0x6e: {  	_ =	shalt  }
0x6f: {  	_ =	shalt  }
0x70: {  	_ =	shalt  }
0x71: {  	_ =	shalt  }
0x72: {  	_ =	shalt  }
0x73: {  	_ =	shalt  }
0x74: {  	_ =	shalt  }
0x75: {  	_ =	shalt  }
0x76: {  	_ =	shalt  }
0x77: {  	_ =	shalt  }
0x78: {  	_ =	shalt  }
0x79: {  	_ =	shalt  }
0x7a: {  	_ =	shalt  }
0x7b: {  	_ =	shalt  }
0x7c: {  	_ =	shalt  }
0x7d: {  	_ =	shalt  }
0x7e: {  	_ =	shalt  }
0x7f: {  	_ =	shalt  }
0x80: {  	_ =	shalt  }
0x81: {  	_ =	shalt  }
0x82: {  	_ =	shalt  }
0x83: {  	_ =	shalt  }
0x84: {  	_ =	shalt  }
0x85: {  	_ =	shalt  }
0x86: {  	_ =	shalt  }
0x87: {  	_ =	shalt  }
.Lfunc_end0:
.L_simem_size_0:
called_computation_lowered:
.L_overlay_start_0:
0x88: {  	s2 =	sld [smem:$0x3FD9]  }
0x89: {  	s3 =	sld [smem:$0x3FFE];
	_ =	sdelay $0x1  }
0x8a: {  	s1 =	srdreg.scid  }
0x8b: {  	s0 =	sand.u32 $0x1, s1  }
0x8c: {  	s16 =	sshll.u32 s0, $0xA;
	s2 =	sadd.s32 s3, s2  }
0x8d: {  	s2 =	sadd.s32 s2, s16  }
0x8e: {  	[smem:$0x3FBC] =	sst s2  }
0x8f: {  	_ = 	snop  }
0x90: {  	(tm) =	ssettm $0x1  }
0x91: {  	s17 =	sld [smem:$0x3FFB];
	_ =	sdelay $0x3  }
0x92: {  	_ =	strace s17  }
0x93: {  	s2 =	sld [smem:$0x3FFC];
	_ =	sdelay $0x3  }
0x94: {  	_ =	strace s2  }
0x95: {  	s2 =	sld [smem:$0x3FFD];
	_ =	sdelay $0x3  }
0x96: {  	_ =	strace s2  }
0x97: {  	_ =	strace $0x8FFFFFFF  }
0x98: {  	s18 =	sld [smem:$0x3FDB];
	_ =	sdelay $0x1  }
0x99: {  	s19 =	simm.s32 $_scs_section_size  }
0x9a: {  	s4 =	simm.s32 $_size__tile_overlayer_lowered;
	s5 =	simm.s32 $_tile_overlayer_lowered  }
0x9b: {  	s22 =	simm.s32 $0x1BFF;
	s21 =	sshll.u32 s5, $0x1;
	s2 =	sadd.s32 s19, s18  }
0x9c: {  	s6 =	simm.s32 $0x0;
	s20 =	sshll.u32 s4, $0x1;
	s4 =	sadd.s32 s21, s2  }
0x9d: {  	[timem:s6], [sflag:s22] =	dma.local [hbm:s4], s20  }
0x9e: {  	_ =	swait.ge [sflag:s22], s20  }
0x9f: {  	s3 =	ssub.s32 $0x0, s20;
	[sflag:s22] =	ssyncset.done $0x0  }
0xa0: {  	[sflag:s22] =	ssyncadd.s32 s3;
	_ =	sdelay $0x1  }
0xa1: {  	s23 =	simm.s32 $0x1B8B  }
0xa2: {  	_ =	swait.ge [sflag:s23], $0x1  }
0xa3: {  	[sflag:s23] =	ssyncset.done $0x0  }
0xa4: {  	s25 =	simm.s32 $0x1B8E;
	s24 =	sld [smem:$0x3FFE];
	[sflag:s23] =	ssyncadd.s32 $0xFFFFFFFF  }
0xa5: {  	s26 =	simm.s32 $execute0_lowered;
	[smem:$0x3FD2] =	sst s25  }
0xa6: {  	s4 =	sshll.u32 s26, $0x1;
	_ =	strace $0x80000046;
	[dreg:$0x1] =	wrdreg $0xFFFFFFFF  }
0xa7: {  	s28 =	simm.s32 $_size_execute0_lowered;
	s2 =	sadd.s32 s2, s4;
	[dreg:$0x0] =	wrdreg $0x0  }
0xa8: {  	s4 =	sshll.u32 s28, $0x1;
	[dreg:$0x2] =	wrdreg s2  }
0xa9: {  	[dreg:$0x3] =	wrdreg s4  }
0xaa: {  	[dreg:$0x4] =	wrdreg $0xC0  }
0xab: {  	_ =	task [dreg:s6], $0x5FFFF  }
0xac: {  	[dreg:$0x1] =	wrdreg $0xFFFFFFFF  }
0xad: {  	[dreg:$0x0] =	wrdreg $0x60  }
0xae: {  	[dreg:$0x2] =	wrdreg s24  }
0xaf: {  	[dreg:$0x3] =	wrdreg $0x68000  }
0xb0: {  	[dreg:$0x4] =	wrdreg $0x9  }
0xb1: {  	_ =	task.clear_ibuf [dreg:s6], $0x5FFFF;
	_ =	strace $0x90000046  }
0xb2: {  	s29 =	simm.s32 $0x9;
	_ =	strace $0x80000048  }
0xb3: {  	_ =	swait.ge [sflag:s29], $0x1  }
0xb4: {  	[sflag:s29] =	ssyncadd.s32 $0xFFFFFFFF  }
0xb5: {  	_ =	strace $0x90000048  }
0xb6: {  	_ =	sfence  }
0xb7: {  	s30 =	sld [smem:$0x0];
	_ =	sdelay $0x2  }
0xb8: {  	s31 =	sshll.u32 s1, $0xD;
	s1 =	sshrl.u32 s1, $0x2  }
0xb9: {  	s3 =	sand.u32 $0x4000, s31;
	s1 =	sadd.s32 s1, s30  }
0xba: {  	s0 =	sor.u32 s3, s0;
	s1 =	sshll.u32 s1, $0x11  }
0xbb: {  	s0 =	sor.u32 s1, s0  }
0xbc: {  	s0 =	sadd.s32 $0x8F2B, s0  }
0xbd: {  	[sflag:s0] =	ssyncadd.remote.s32 $0x1  }
0xbe: {  	_ =	sfence.sel $0xFFFF  }
0xbf: {  	[dreg:$0x0] =	wrdreg $0xFFFFFFFF;
	(pc) =	sbr.abs _section_cstart, $3  }
0xc0: {  	[dreg:$0x1] =	wrdreg $0xFFFFFFFF  }
0xc1: {  	_ =	task.clear_ibuf [dreg:s6], $0x2FFFF;
	_ =	strace $0x9FFFFFFF  }
0xc2: {  	(tm) =	ssettm $0x7FFFFFFF  }
0xc3: {  	_ =	shalt  }
tec
execute0_lowered:
.L_overlay_start_1:
0x0: {  	(tag) =	ssettag $0x1  }
0x1: {  	s7 =	rddreg [dreg:$0x0]  }
0x2: {  	s0 =	srdreg.scid;
	s2 =	rddreg [dreg:$0x1]  }
0x3: {  	s3 =	simm.s32 $0x0;
	s12 =	simm.s32 $0x2800;
	s6 =	sand.u32 $0x1, s0  }
0x4: {  	s13 =	simm.s32 $0x7D;
	s0 =	stileid.u32;
	s5 =	smul.u32 $0x140000, s6  }
0x5: {  	s14 =	simm.s32 $0x0;
	[smem:$0x7FF] =	sst s3;
	s8 =	smul.u32 $0x14000, s0  }
0x6: {  	s1 =	sshll.u32 s6, $0x4;
	s10 =	smul.u32 $0x50000, s0;
	s6 =	ssub.s32 $0x2, s6  }
0x7: {  	s31 =	sshll.u32 s0, $0x6;
	s1 =	sor.u32 s0, s1;
	s30 =	sshrl.u32 s6, $0x1  }
0x8: {  	s4 =	smul.u32 $0x500, s1;
	s1 =	rddreg [dreg:$0x2];
	_ =	strace $0x80000047  }
0x9: {  	s8 =	sadd.s32 s8, s5;
	s5 =	sadd.s32 $0xDA00, s7;
	s10 =	sshrl.u32 s10, $0x2  }
0xa: {  	s11 =	ssub.s32 s6, s30;
	s6 =	sor.u32 $0x1C01, s31;
	s8 =	sshrl.u32 s8, $0x3  }
0xb: {  	s10 =	sadd.s32 s10, s2;
	s9 =	sadd.s32 s4, s7;
	s4 =	sadd.s32 $0x10200, s7  }
0xc: {  	s8 =	sadd.s32 s8, s7;
	s10 =	sshrl.u32 s10, $0x3;
	s7 =	sadd.s32 $0x3A00, s9  }
0xd: {  	s8 =	sadd.s32 $0x10A00, s8;
	s9 =	smax.u32 s11, $0x1;
	s11 =	simm.s32 $0x1  }
.LBB2_1:
0xe: {  	[spmem:s10], [sflag:s6] =	dma.local [hbm:s5], $0x2800  }
0xf: {  	_ =	swait.ge [sflag:s11], $0x2800  }
0x10: {  	[sflag:s11] =	ssyncset.done $0x0  }
0x11: {  	[sflag:s11] =	ssyncadd.s32 $0xFFFFD800  }
0x12: {  	[tilespmem:s3], [sflag:$0x1] =	stream.linear.gather [hbm4b:s7+s3], $0x2800, $0x38;
	[tilespmem:$0x1A800] =	vst v63  }
0x13: {  	_ =	swait.ge [sflag:s11], $0x2800  }
0x14: {  	[sflag:s11] =	ssyncset.done $0x0  }
0x15: {  	[sflag:s11] =	ssyncadd.s32 $0xFFFFD800  }
0x16: {  	[tilespmem:s12], [sflag:$0x1] =	stream.linear.gather [hbm4b:s4+s3], $0x3E80, $0x38;
	[tilespmem:$0x1A800] =	vst v63  }
0x17: {  	_ =	swait.ge [sflag:s11], $0x3E80  }
0x18: {  	[sflag:s11] =	ssyncset.done $0x0  }
0x19: {  	[sflag:s11] =	ssyncadd.s32 $0xFFFFC180  }
0x1a: {  	s15 =	simm.s32 $0x0;
	[bflag:$0x0] =	sbarrier.arrive $0xFFFF  }
0x1b: {  	[spmem:s2] =	stream.indirect.scatter.add.f32 [tilespmem:s12], [sflag:$0x1], $0x80, s15, s13, $0xb8;
	[tilespmem:$0x1A800] =	vst v63  }
0x1c: {  	_ =	swait.ge [sflag:s11], $0x3E80  }
0x1d: {  	s15 =	simm.s32 $0x200;
	[sflag:s11] =	ssyncset.done $0x0  }
.LBB2_2:
0x1e: {  	s16 =	sshra.s32 s15, $0x2;
	[sflag:s11] =	ssyncadd.s32 $0xFFFFC180;
	p0 =	sne.s32 s15, $0x9E00  }
0x1f: {  	[spmem:s2] =	stream.indirect.scatter.add.f32 [tilespmem:s12], [sflag:$0x1], $0x80, s16, s13, $0xb8;
	[tilespmem:$0x1A800] =	vst v63  }
.Ltmp0:
0x20: {  	_ = 	snop;
	(pc) =	sbr.rel @p0 .LBB2_2-.Ltmp0, $4  }
0x21: {  	_ = 	snop  }
0x22: {  	s15 =	sadd.s32 $0x200, s15  }
0x23: {  	_ =	swait.ge [sflag:s11], $0x3E80  }
0x24: {  	[sflag:s11] =	ssyncset.done $0x0  }
0x25: {  	s14 =	sadd.s32 $0x1, s14  }
0x26: {  	[sflag:s11] =	ssyncadd.s32 $0xFFFFC180;
	p0 =	sne.s32 s14, s9  }
.Ltmp1:
0x27: {  	[bflag:$0x0] =	sbarrier.arrive $0xFFFF;
	(pc) =	sbr.rel @p0 .LBB2_1-.Ltmp1, $4  }
0x28: {  	[hbm:s8], [sflag:s6] =	dma.local [spmem:s10], $0x2800  }
0x29: {  	_ =	swait.ge [sflag:s11], $0x2800  }
0x2a: {  	[sflag:s11] =	ssyncset.done $0x0  }
0x2b: {  	[sflag:s11] =	ssyncadd.s32 $0xFFFFD800  }
0x2c: {  	_ =	sfence.sel $0x180000  }
0x2d: {  	[bflag:$0x0] =	sbarrier.arrive $0xFFFF  }
0x2e: {  	p0 =	sne.s32 s0, $0x0;
	_ =	strace $0x90000047  }
0x2f: {  	s0 =	sadd.s32 @!p0 $0x100000, s1;
	[bflag:$0x2] =	sbarrier.arrive $0xFFFF  }
0x30: {  	[sflag:s0] =	ssyncadd.tile.s32 @!p0 $0x1;
	_ =	shalt  }
.Lfunc_end2:
_tile_overlayer_lowered:
.L_overlay_start_2:
0x31: {  	(tag) =	ssettag $0x2  }
0x32: {  	s0 =	rddreg [dreg:$0x0];
	s2 =	stileid.u32  }
0x33: {  	s1 =	rddreg [dreg:$0x1];
	p0 =	sne.s32 s2, $0x0  }
0x34: {  	s3 =	rddreg [dreg:$0x2];
	[bflag:$0x3] =	sbarrier.arrive $0xFFFF;
	s2 =	simm.s32 @!p0 $0x1C01  }
0x35: {  	[timem:s3], [sflag:s2] =	dma.local @!p0 [hbm:s0], s1  }
0x36: {  	s0 =	simm.s32 @!p0 $0x1  }
0x37: {  	_ =	swait.ge @!p0 [sflag:s0], s1  }
0x38: {  	s1 =	ssub.s32 @!p0 $0x0, s1;
	[sflag:s0] =	ssyncset.done @!p0 $0x0  }
0x39: {  	[sflag:s0] =	ssyncadd.s32 @!p0 s1  }
0x3a: {  	[bflag:$0x3] =	sbarrier.arrive $0xFFFF  }
0x3b: {  	_ =	shalt  }

// kernel: kernel.14.cloned.1.call-start
scs
__scs_entry_jumppad:
0x0: {  	(pc) =	sbr.rel $0x88, $3  }
0x1: {  	(tag) =	ssettag $0x0;
	lr =	simm.s32 $0x1  }
0x2: {  	[smem:$0x3F95] =	sst lr;
	_ =	strace $0xD0000000  }
0x3: {  	_ = 	snop  }
0x4: {  	_ = 	snop  }
0x5: {  	_ = 	snop  }
0x6: {  	_ = 	snop  }
0x7: {  	_ = 	snop  }
__scs_overlays_trampoline_lowered:
0x8: {  	[smem:$0x3FA4] =	sst s0  }
0x9: {  	[smem:$0x3FA5] =	sst s1  }
0xa: {  	[smem:$0x3FA6] =	sst s2  }
0xb: {  	[smem:$0x3FA7] =	sst s3  }
0xc: {  	[smem:$0x3FA8] =	sst s4  }
0xd: {  	[smem:$0x3FA9] =	sst s5  }
0xe: {  	[smem:$0x3FAA] =	sst s6  }
0xf: {  	[smem:$0x3FAB] =	sst s7  }
0x10: {  	[smem:$0x3FAC] =	sst s8  }
0x11: {  	[smem:$0x3FAD] =	sst s9;
	s0 =	simm.s32 @!p0 $0x0  }
0x12: {  	s1 =	sld [smem:$0x3F93];
	s0 =	simm.s32 @p0 $0x1  }
0x13: {  	[smem:$0x3FAE] =	sst s0;
	s0 =	simm.s32 @!p1 $0x0  }
0x14: {  	s2 =	sld [smem:$0x3F92];
	s0 =	simm.s32 @p1 $0x1  }
0x15: {  	[smem:$0x3FAF] =	sst s0;
	s0 =	simm.s32 @!p2 $0x0  }
0x16: {  	s3 =	sld [smem:$0x3FDB];
	s0 =	simm.s32 @p2 $0x1  }
0x17: {  	s4 =	simm.s32 $0x1BF5;
	[smem:$0x3FB1] =	sst s0  }
0x18: {  	s0 =	sld [smem:$0x3F94];
	_ =	swait.ge [sflag:s4], $0x0  }
0x19: {  	s7 =	sld [smem:$0x3F95]  }
0x1a: {  	s8 =	sadd.s32 $0xFFFFE003, lr  }
0x1b: {  	s9 =	sadd.s32 $0xFFFFFEF7, lr;
	s5 =	simm.s32 $0xFFFFFFFF;
	p2 =	slt.u32 s8, $0xFFFFF086  }
0x1c: {  	p1 =	slt.u32 s9, $0xF7A;
	s5 =	simm.s32 @!p2 $0x0  }
0x1d: {  	s5 =	simm.s32 @p1 $0x1;
	p0 =	seq.s32 s7, s2  }
0x1e: {  	s7 =	smul.u32 @!p0 $0xF7A, s2;
	p2 =	seq.s32 @!p0 s5, $0x0  }
0x1f: {  	s9 =	smul.u32 $0xF7A, s1;
	s8 =	simm.s32 @!p0 $0x1BF5;
	p2 =	por !p2, p0  }
0x20: {  	[sflag:s8] =	ssyncset.s32 @!p0 $0xFFFFF086;
	s6 =	sadd.s32 @!p0 s3, s7;
	s7 =	simm.s32 @!p0 $0x108  }
0x21: {  	s3 =	sadd.s32 s3, s9;
	s6 =	sadd.s32 @!p0 $0x88, s6;
	s7 =	simm.s32 @p2 $0x1082  }
0x22: {  	[simem:s7], [sflag:s8] =	dma.local @!p0 [hbm:s6], $0xF7A  }
0x23: {  	s9 =	sor.u32 $0xD0000000, s2;
	s6 =	simm.s32 $0x108;
	_ =	swait.ge @!p0 [sflag:s8], $0x0  }
0x24: {  	s3 =	sadd.s32 $0x88, s3;
	s6 =	simm.s32 @!p1 $0x1082;
	[sflag:s4] =	ssyncset.s32 $0xFFFFF086  }
0x25: {  	[simem:s6], [sflag:s4] =	dma.local [hbm:s3], $0xF7A  }
0x26: {  	[smem:$0x3F95] =	sst s1;
	(tag) =	ssettag s2;
	_ =	strace s9  }
0x27: {  	s1 =	sld [smem:$0x3FA5]  }
0x28: {  	s2 =	sld [smem:$0x3FA6]  }
0x29: {  	s4 =	sld [smem:$0x3FA8]  }
0x2a: {  	p0 =	seq.s32 s5, $0x0;
	s5 =	sld [smem:$0x3FA9]  }
0x2b: {  	s6 =	sld [smem:$0x3FAA]  }
0x2c: {  	s7 =	sld [smem:$0x3FAB]  }
0x2d: {  	s3 =	simm.s32 $0x108;
	s8 =	sld [smem:$0x3FAC]  }
0x2e: {  	s3 =	simm.s32 @!p0 $0x1082;
	s9 =	sld [smem:$0x3FAD]  }
0x2f: {  	lr =	sadd.s32 s0, s3;
	s0 =	sld [smem:$0x3FA4]  }
0x30: {  	s3 =	sld [smem:$0x3FA7]  }
0x31: {  	[smem:$0x3FB0] =	sst s10  }
0x32: {  	s10 =	sld [smem:$0x3FAE];
	_ =	sdelay $0x3  }
0x33: {  	p0 =	seq.s32 s10, $0x1;
	s10 =	sld [smem:$0x3FB0];
	_ =	sdelay $0x3  }
0x34: {  	[smem:$0x3FB0] =	sst s10  }
0x35: {  	s10 =	sld [smem:$0x3FAF];
	_ =	sdelay $0x3  }
0x36: {  	p1 =	seq.s32 s10, $0x1;
	s10 =	sld [smem:$0x3FB0];
	_ =	sdelay $0x3  }
0x37: {  	[smem:$0x3FB0] =	sst s10  }
0x38: {  	s10 =	sld [smem:$0x3FB1]  }
0x39: {  	_ = 	snop;
	(pc) =	sbr.ind lr, $3  }
0x3a: {  	_ = 	snop  }
0x3b: {  	_ = 	snop  }
0x3c: {  	p2 =	seq.s32 s10, $0x1;
	s10 =	sld [smem:$0x3FB0]  }
0x3d: {  	_ =	shalt  }
0x3e: {  	_ =	shalt  }
0x3f: {  	_ =	shalt  }
0x40: {  	_ =	shalt  }
0x41: {  	_ =	shalt  }
0x42: {  	_ =	shalt  }
0x43: {  	_ =	shalt  }
0x44: {  	_ =	shalt  }
0x45: {  	_ =	shalt  }
0x46: {  	_ =	shalt  }
0x47: {  	_ =	shalt  }
0x48: {  	_ =	shalt  }
0x49: {  	_ =	shalt  }
0x4a: {  	_ =	shalt  }
0x4b: {  	_ =	shalt  }
0x4c: {  	_ =	shalt  }
0x4d: {  	_ =	shalt  }
0x4e: {  	_ =	shalt  }
0x4f: {  	_ =	shalt  }
0x50: {  	_ =	shalt  }
0x51: {  	_ =	shalt  }
0x52: {  	_ =	shalt  }
0x53: {  	_ =	shalt  }
0x54: {  	_ =	shalt  }
0x55: {  	_ =	shalt  }
0x56: {  	_ =	shalt  }
0x57: {  	_ =	shalt  }
0x58: {  	_ =	shalt  }
0x59: {  	_ =	shalt  }
0x5a: {  	_ =	shalt  }
0x5b: {  	_ =	shalt  }
0x5c: {  	_ =	shalt  }
0x5d: {  	_ =	shalt  }
0x5e: {  	_ =	shalt  }
0x5f: {  	_ =	shalt  }
0x60: {  	_ =	shalt  }
0x61: {  	_ =	shalt  }
0x62: {  	_ =	shalt  }
0x63: {  	_ =	shalt  }
0x64: {  	_ =	shalt  }
0x65: {  	_ =	shalt  }
0x66: {  	_ =	shalt  }
0x67: {  	_ =	shalt  }
0x68: {  	_ =	shalt  }
0x69: {  	_ =	shalt  }
0x6a: {  	_ =	shalt  }
0x6b: {  	_ =	shalt  }
0x6c: {  	_ =	shalt  }
0x6d: {  	_ =	shalt  }
0x6e: {  	_ =	shalt  }
0x6f: {  	_ =	shalt  }
0x70: {  	_ =	shalt  }
0x71: {  	_ =	shalt  }
0x72: {  	_ =	shalt  }
0x73: {  	_ =	shalt  }
0x74: {  	_ =	shalt  }
0x75: {  	_ =	shalt  }
0x76: {  	_ =	shalt  }
0x77: {  	_ =	shalt  }
0x78: {  	_ =	shalt  }
0x79: {  	_ =	shalt  }
0x7a: {  	_ =	shalt  }
0x7b: {  	_ =	shalt  }
0x7c: {  	_ =	shalt  }
0x7d: {  	_ =	shalt  }
0x7e: {  	_ =	shalt  }
0x7f: {  	_ =	shalt  }
0x80: {  	_ =	shalt  }
0x81: {  	_ =	shalt  }
0x82: {  	_ =	shalt  }
0x83: {  	_ =	shalt  }
0x84: {  	_ =	shalt  }
0x85: {  	_ =	shalt  }
0x86: {  	_ =	shalt  }
0x87: {  	_ =	shalt  }
.Lfunc_end0:
.L_simem_size_0:
called_computation.1_lowered:
.L_overlay_start_0:
0x88: {  	s2 =	sld [smem:$0x3FD9]  }
0x89: {  	s3 =	sld [smem:$0x3FFE];
	_ =	sdelay $0x1  }
0x8a: {  	s1 =	srdreg.scid  }
0x8b: {  	s0 =	sand.u32 $0x1, s1  }
0x8c: {  	s16 =	sshll.u32 s0, $0xA;
	s2 =	sadd.s32 s3, s2  }
0x8d: {  	s2 =	sadd.s32 s2, s16  }
0x8e: {  	[smem:$0x3FBC] =	sst s2  }
0x8f: {  	_ = 	snop  }
0x90: {  	(tm) =	ssettm $0x1  }
0x91: {  	s17 =	sld [smem:$0x3FFB];
	_ =	sdelay $0x3  }
0x92: {  	_ =	strace s17  }
0x93: {  	s2 =	sld [smem:$0x3FFC];
	_ =	sdelay $0x3  }
0x94: {  	_ =	strace s2  }
0x95: {  	s2 =	sld [smem:$0x3FFD];
	_ =	sdelay $0x3  }
0x96: {  	_ =	strace s2  }
0x97: {  	_ =	strace $0x8FFFFFFF  }
0x98: {  	s18 =	sld [smem:$0x3FDB];
	_ =	sdelay $0x1  }
0x99: {  	s19 =	simm.s32 $_scs_section_size  }
0x9a: {  	s4 =	simm.s32 $_size__tile_overlayer_lowered;
	s5 =	simm.s32 $_tile_overlayer_lowered  }
0x9b: {  	s22 =	simm.s32 $0x1BFF;
	s21 =	sshll.u32 s5, $0x1;
	s2 =	sadd.s32 s19, s18  }
0x9c: {  	s6 =	simm.s32 $0x0;
	s20 =	sshll.u32 s4, $0x1;
	s4 =	sadd.s32 s21, s2  }
0x9d: {  	[timem:s6], [sflag:s22] =	dma.local [hbm:s4], s20  }
0x9e: {  	_ =	swait.ge [sflag:s22], s20  }
0x9f: {  	s3 =	ssub.s32 $0x0, s20;
	[sflag:s22] =	ssyncset.done $0x0  }
0xa0: {  	[sflag:s22] =	ssyncadd.s32 s3;
	_ =	sdelay $0x1  }
0xa1: {  	s23 =	simm.s32 $0x1B8B  }
0xa2: {  	_ =	swait.ge [sflag:s23], $0x1  }
0xa3: {  	[sflag:s23] =	ssyncset.done $0x0  }
0xa4: {  	s25 =	simm.s32 $0x1B8E;
	s24 =	sld [smem:$0x3FFE];
	[sflag:s23] =	ssyncadd.s32 $0xFFFFFFFF  }
0xa5: {  	s26 =	simm.s32 $execute0_lowered;
	[smem:$0x3FD2] =	sst s25  }
0xa6: {  	s4 =	sshll.u32 s26, $0x1;
	_ =	strace $0x80000049;
	[dreg:$0x1] =	wrdreg $0xFFFFFFFF  }
0xa7: {  	s28 =	simm.s32 $_size_execute0_lowered;
	s2 =	sadd.s32 s2, s4;
	[dreg:$0x0] =	wrdreg $0x0  }
0xa8: {  	s4 =	sshll.u32 s28, $0x1;
	[dreg:$0x2] =	wrdreg s2  }
0xa9: {  	[dreg:$0x3] =	wrdreg s4  }
0xaa: {  	[dreg:$0x4] =	wrdreg $0xC0  }
0xab: {  	_ =	task [dreg:s6], $0x5FFFF  }
0xac: {  	[dreg:$0x1] =	wrdreg $0xFFFFFFFF  }
0xad: {  	[dreg:$0x0] =	wrdreg $0x60  }
0xae: {  	[dreg:$0x2] =	wrdreg s24  }
0xaf: {  	[dreg:$0x3] =	wrdreg $0x90000  }
0xb0: {  	[dreg:$0x4] =	wrdreg $0x9  }
0xb1: {  	_ =	task.clear_ibuf [dreg:s6], $0x5FFFF;
	_ =	strace $0x90000049  }
0xb2: {  	s29 =	simm.s32 $0x9;
	_ =	strace $0x8000004B  }
0xb3: {  	_ =	swait.ge [sflag:s29], $0x1  }
0xb4: {  	[sflag:s29] =	ssyncadd.s32 $0xFFFFFFFF  }
0xb5: {  	_ =	strace $0x9000004B  }
0xb6: {  	_ =	sfence  }
0xb7: {  	s30 =	sld [smem:$0x0];
	_ =	sdelay $0x2  }
0xb8: {  	s31 =	sshll.u32 s1, $0xD;
	s1 =	sshrl.u32 s1, $0x2  }
0xb9: {  	s3 =	sand.u32 $0x4000, s31;
	s1 =	sadd.s32 s1, s30  }
0xba: {  	s0 =	sor.u32 s3, s0;
	s1 =	sshll.u32 s1, $0x11  }
0xbb: {  	s0 =	sor.u32 s1, s0  }
0xbc: {  	s0 =	sadd.s32 $0x8F2B, s0  }
0xbd: {  	[sflag:s0] =	ssyncadd.remote.s32 $0x1  }
0xbe: {  	_ =	sfence.sel $0xFFFF  }
0xbf: {  	[dreg:$0x0] =	wrdreg $0xFFFFFFFF;
	(pc) =	sbr.abs _section_cstart, $3  }
0xc0: {  	[dreg:$0x1] =	wrdreg $0xFFFFFFFF  }
0xc1: {  	_ =	task.clear_ibuf [dreg:s6], $0x2FFFF;
	_ =	strace $0x9FFFFFFF  }
0xc2: {  	(tm) =	ssettm $0x7FFFFFFF  }
0xc3: {  	_ =	shalt  }
tec
execute0_lowered:
.L_overlay_start_1:
0x0: {  	(tag) =	ssettag $0x1  }
0x1: {  	s6 =	rddreg [dreg:$0x0]  }
0x2: {  	s2 =	rddreg [dreg:$0x1]  }
0x3: {  	s1 =	srdreg.scid;
	s0 =	rddreg [dreg:$0x2]  }
0x4: {  	s3 =	simm.s32 $0x0;
	s13 =	simm.s32 $0x5000;
	s7 =	sand.u32 $0x1, s1  }
0x5: {  	s14 =	simm.s32 $0x1;
	s1 =	stileid.u32;
	s5 =	smul.u32 $0x140000, s7  }
0x6: {  	s15 =	simm.s32 $0x0;
	[smem:$0x7FF] =	sst s3;
	s8 =	smul.u32 $0x14000, s1  }
0x7: {  	s4 =	sshll.u32 s7, $0x4;
	_ =	strace $0x8000004A;
	s10 =	smul.u32 $0x50000, s1  }
0x8: {  	s31 =	ssub.s32 $0x2, s7;
	s11 =	sshll.u32 s1, $0x6;
	s4 =	sor.u32 s1, s4  }
0x9: {  	s7 =	sshrl.u32 s31, $0x1;
	s9 =	smul.u32 $0xA00, s4;
	s4 =	sadd.s32 $0x10200, s6  }
0xa: {  	s5 =	sadd.s32 s8, s5;
	s10 =	sshrl.u32 s10, $0x2;
	s12 =	ssub.s32 s31, s7  }
0xb: {  	s30 =	sshrl.u32 s5, $0x3;
	s5 =	sadd.s32 $0xDA00, s6;
	s10 =	sadd.s32 s10, s2  }
0xc: {  	s29 =	sadd.s32 s9, s6;
	s9 =	sadd.s32 s30, s6;
	s6 =	sor.u32 $0x1C02, s11  }
0xd: {  	s10 =	sshrl.u32 s10, $0x3;
	s11 =	simm.s32 $0x2;
	s7 =	sadd.s32 $0x60A00, s29  }
0xe: {  	s8 =	sadd.s32 $0x74A00, s9;
	s9 =	smax.u32 s12, $0x1;
	s12 =	simm.s32 $0x7D  }
.LBB2_1:
0xf: {  	[spmem:s10], [sflag:s6] =	dma.local [hbm:s5], $0x2800  }
0x10: {  	_ =	swait.ge [sflag:s11], $0x2800  }
0x11: {  	[sflag:s11] =	ssyncset.done $0x0  }
0x12: {  	[sflag:s11] =	ssyncadd.s32 $0xFFFFD800  }
0x13: {  	[tilespmem:s3], [sflag:$0x2] =	stream.linear.gather [hbm4b:s7+s3], $0x5000, $0x38;
	[tilespmem:$0x1D000] =	vst v63  }
0x14: {  	_ =	swait.ge [sflag:s11], $0x5000  }
0x15: {  	[sflag:s11] =	ssyncset.done $0x0  }
0x16: {  	[sflag:s11] =	ssyncadd.s32 $0xFFFFB000  }
0x17: {  	s16 =	simm.s32 $0x0;
	[bflag:$0x0] =	sbarrier.arrive $0xFFFF  }
0x18: {  	[tilespmem:s13], [sflag:$0x1] =	stream.indirect.gather [hbm4b:s4+s12], $0x80, s16, s12, $0xb8;
	[tilespmem:$0x1D000] =	vst v63  }
0x19: {  	_ =	swait.ge [sflag:s14], $0x3E80  }
0x1a: {  	[sflag:s14] =	ssyncset.done $0x0  }
0x1b: {  	s31 =	simm.s32 $0x2800;
	[sflag:s14] =	ssyncadd.s32 $0xFFFFC180  }
0x1c: {  	[spmem:s2] =	stream.indirect.scatter.add.f32 [tilespmem:s13], [sflag:$0x2], $0x80, s31, s12, $0xb8;
	[tilespmem:$0x1D000] =	vst v63  }
0x1d: {  	_ =	swait.ge [sflag:s11], $0x3E80  }
0x1e: {  	s17 =	simm.s32 $0x400;
	s16 =	simm.s32 $0x200;
	[sflag:s11] =	ssyncset.done $0x0  }
.LBB2_2:
0x1f: {  	s18 =	sshra.s32 s16, $0x2  }
0x20: {  	[sflag:s11] =	ssyncadd.s32 $0xFFFFC180;
	s16 =	smov.u32 s17;
	s19 =	sadd.s32 $0x200, s17  }
0x21: {  	[tilespmem:s13], [sflag:$0x1] =	stream.indirect.gather [hbm4b:s4+s12], $0x80, s18, s12, $0xb8;
	[tilespmem:$0x1D000] =	vst v63  }
0x22: {  	p0 =	sne.s32 s17, $0x9E00;
	_ =	swait.ge [sflag:s14], $0x3E80  }
.Ltmp0:
0x23: {  	[sflag:s14] =	ssyncset.done $0x0;
	(pc) =	sbr.rel @p0 .LBB2_2-.Ltmp0, $4  }
0x24: {  	s17 =	sadd.s32 $0x2800, s18;
	[sflag:s14] =	ssyncadd.s32 $0xFFFFC180  }
0x25: {  	[spmem:s2] =	stream.indirect.scatter.add.f32 [tilespmem:s13], [sflag:$0x2], $0x80, s17, s12, $0xb8;
	[tilespmem:$0x1D000] =	vst v63  }
0x26: {  	_ =	swait.ge [sflag:s11], $0x3E80  }
0x27: {  	s17 =	smov.u32 s19;
	[sflag:s11] =	ssyncset.done $0x0  }
0x28: {  	s16 =	sshra.s32 s16, $0x2;
	[sflag:s11] =	ssyncadd.s32 $0xFFFFC180  }
0x29: {  	[tilespmem:s13], [sflag:$0x1] =	stream.indirect.gather [hbm4b:s4+s12], $0x80, s16, s12, $0xb8;
	[tilespmem:$0x1D000] =	vst v63  }
0x2a: {  	_ =	swait.ge [sflag:s14], $0x3E80  }
0x2b: {  	[sflag:s14] =	ssyncset.done $0x0  }
0x2c: {  	s16 =	sadd.s32 $0x2800, s16;
	[sflag:s14] =	ssyncadd.s32 $0xFFFFC180  }
0x2d: {  	[spmem:s2] =	stream.indirect.scatter.add.f32 [tilespmem:s13], [sflag:$0x2], $0x80, s16, s12, $0xb8;
	[tilespmem:$0x1D000] =	vst v63  }
0x2e: {  	_ =	swait.ge [sflag:s11], $0x3E80  }
0x2f: {  	s15 =	sadd.s32 $0x1, s15;
	[sflag:s11] =	ssyncset.done $0x0  }
0x30: {  	p0 =	sne.s32 s15, s9;
	[sflag:s11] =	ssyncadd.s32 $0xFFFFC180  }
.Ltmp1:
0x31: {  	[bflag:$0x0] =	sbarrier.arrive $0xFFFF;
	(pc) =	sbr.rel @p0 .LBB2_1-.Ltmp1, $4  }
0x32: {  	[hbm:s8], [sflag:s6] =	dma.local [spmem:s10], $0x2800  }
0x33: {  	_ =	swait.ge [sflag:s11], $0x2800  }
0x34: {  	[sflag:s11] =	ssyncset.done $0x0  }
0x35: {  	[sflag:s11] =	ssyncadd.s32 $0xFFFFD800  }
0x36: {  	_ =	sfence.sel $0x180000  }
0x37: {  	[bflag:$0x0] =	sbarrier.arrive $0xFFFF  }
0x38: {  	p0 =	sne.s32 s1, $0x0;
	_ =	strace $0x9000004A  }
0x39: {  	s0 =	sadd.s32 @!p0 $0x100000, s0;
	[bflag:$0x2] =	sbarrier.arrive $0xFFFF  }
0x3a: {  	[sflag:s0] =	ssyncadd.tile.s32 @!p0 $0x1;
	_ =	shalt  }
.Lfunc_end2:
_tile_overlayer_lowered:
.L_overlay_start_2:
0x3b: {  	(tag) =	ssettag $0x2  }
0x3c: {  	s0 =	rddreg [dreg:$0x0];
	s2 =	stileid.u32  }
0x3d: {  	s1 =	rddreg [dreg:$0x1];
	p0 =	sne.s32 s2, $0x0  }
0x3e: {  	s3 =	rddreg [dreg:$0x2];
	[bflag:$0x3] =	sbarrier.arrive $0xFFFF;
	s2 =	simm.s32 @!p0 $0x1C02  }
0x3f: {  	[timem:s3], [sflag:s2] =	dma.local @!p0 [hbm:s0], s1  }
0x40: {  	s0 =	simm.s32 @!p0 $0x2  }
0x41: {  	_ =	swait.ge @!p0 [sflag:s0], s1  }
0x42: {  	s1 =	ssub.s32 @!p0 $0x0, s1;
	[sflag:s0] =	ssyncset.done @!p0 $0x0  }
0x43: {  	[sflag:s0] =	ssyncadd.s32 @!p0 s1  }
0x44: {  	[bflag:$0x3] =	sbarrier.arrive $0xFFFF  }
0x45: {  	_ =	shalt  }

// kernel: kernel.17.cloned.1.call-start
scs
__scs_entry_jumppad:
0x0: {  	(pc) =	sbr.rel $0x88, $3  }
0x1: {  	(tag) =	ssettag $0x0;
	lr =	simm.s32 $0x1  }
0x2: {  	[smem:$0x3F95] =	sst lr;
	_ =	strace $0xD0000000  }
0x3: {  	_ = 	snop  }
0x4: {  	_ = 	snop  }
0x5: {  	_ = 	snop  }
0x6: {  	_ = 	snop  }
0x7: {  	_ = 	snop  }
__scs_overlays_trampoline_lowered:
0x8: {  	[smem:$0x3FA4] =	sst s0  }
0x9: {  	[smem:$0x3FA5] =	sst s1  }
0xa: {  	[smem:$0x3FA6] =	sst s2  }
0xb: {  	[smem:$0x3FA7] =	sst s3  }
0xc: {  	[smem:$0x3FA8] =	sst s4  }
0xd: {  	[smem:$0x3FA9] =	sst s5  }
0xe: {  	[smem:$0x3FAA] =	sst s6  }
0xf: {  	[smem:$0x3FAB] =	sst s7  }
0x10: {  	[smem:$0x3FAC] =	sst s8  }
0x11: {  	[smem:$0x3FAD] =	sst s9;
	s0 =	simm.s32 @!p0 $0x0  }
0x12: {  	s1 =	sld [smem:$0x3F93];
	s0 =	simm.s32 @p0 $0x1  }
0x13: {  	[smem:$0x3FAE] =	sst s0;
	s0 =	simm.s32 @!p1 $0x0  }
0x14: {  	s2 =	sld [smem:$0x3F92];
	s0 =	simm.s32 @p1 $0x1  }
0x15: {  	[smem:$0x3FAF] =	sst s0;
	s0 =	simm.s32 @!p2 $0x0  }
0x16: {  	s3 =	sld [smem:$0x3FDB];
	s0 =	simm.s32 @p2 $0x1  }
0x17: {  	s4 =	simm.s32 $0x1BF5;
	[smem:$0x3FB1] =	sst s0  }
0x18: {  	s0 =	sld [smem:$0x3F94];
	_ =	swait.ge [sflag:s4], $0x0  }
0x19: {  	s7 =	sld [smem:$0x3F95]  }
0x1a: {  	s8 =	sadd.s32 $0xFFFFE003, lr  }
0x1b: {  	s9 =	sadd.s32 $0xFFFFFEF7, lr;
	s5 =	simm.s32 $0xFFFFFFFF;
	p2 =	slt.u32 s8, $0xFFFFF086  }
0x1c: {  	p1 =	slt.u32 s9, $0xF7A;
	s5 =	simm.s32 @!p2 $0x0  }
0x1d: {  	s5 =	simm.s32 @p1 $0x1;
	p0 =	seq.s32 s7, s2  }
0x1e: {  	s7 =	smul.u32 @!p0 $0xF7A, s2;
	p2 =	seq.s32 @!p0 s5, $0x0  }
0x1f: {  	s9 =	smul.u32 $0xF7A, s1;
	s8 =	simm.s32 @!p0 $0x1BF5;
	p2 =	por !p2, p0  }
0x20: {  	[sflag:s8] =	ssyncset.s32 @!p0 $0xFFFFF086;
	s6 =	sadd.s32 @!p0 s3, s7;
	s7 =	simm.s32 @!p0 $0x108  }
0x21: {  	s3 =	sadd.s32 s3, s9;
	s6 =	sadd.s32 @!p0 $0x88, s6;
	s7 =	simm.s32 @p2 $0x1082  }
0x22: {  	[simem:s7], [sflag:s8] =	dma.local @!p0 [hbm:s6], $0xF7A  }
0x23: {  	s9 =	sor.u32 $0xD0000000, s2;
	s6 =	simm.s32 $0x108;
	_ =	swait.ge @!p0 [sflag:s8], $0x0  }
0x24: {  	s3 =	sadd.s32 $0x88, s3;
	s6 =	simm.s32 @!p1 $0x1082;
	[sflag:s4] =	ssyncset.s32 $0xFFFFF086  }
0x25: {  	[simem:s6], [sflag:s4] =	dma.local [hbm:s3], $0xF7A  }
0x26: {  	[smem:$0x3F95] =	sst s1;
	(tag) =	ssettag s2;
	_ =	strace s9  }
0x27: {  	s1 =	sld [smem:$0x3FA5]  }
0x28: {  	s2 =	sld [smem:$0x3FA6]  }
0x29: {  	s4 =	sld [smem:$0x3FA8]  }
0x2a: {  	p0 =	seq.s32 s5, $0x0;
	s5 =	sld [smem:$0x3FA9]  }
0x2b: {  	s6 =	sld [smem:$0x3FAA]  }
0x2c: {  	s7 =	sld [smem:$0x3FAB]  }
0x2d: {  	s3 =	simm.s32 $0x108;
	s8 =	sld [smem:$0x3FAC]  }
0x2e: {  	s3 =	simm.s32 @!p0 $0x1082;
	s9 =	sld [smem:$0x3FAD]  }
0x2f: {  	lr =	sadd.s32 s0, s3;
	s0 =	sld [smem:$0x3FA4]  }
0x30: {  	s3 =	sld [smem:$0x3FA7]  }
0x31: {  	[smem:$0x3FB0] =	sst s10  }
0x32: {  	s10 =	sld [smem:$0x3FAE];
	_ =	sdelay $0x3  }
0x33: {  	p0 =	seq.s32 s10, $0x1;
	s10 =	sld [smem:$0x3FB0];
	_ =	sdelay $0x3  }
0x34: {  	[smem:$0x3FB0] =	sst s10  }
0x35: {  	s10 =	sld [smem:$0x3FAF];
	_ =	sdelay $0x3  }
0x36: {  	p1 =	seq.s32 s10, $0x1;
	s10 =	sld [smem:$0x3FB0];
	_ =	sdelay $0x3  }
0x37: {  	[smem:$0x3FB0] =	sst s10  }
0x38: {  	s10 =	sld [smem:$0x3FB1]  }
0x39: {  	_ = 	snop;
	(pc) =	sbr.ind lr, $3  }
0x3a: {  	_ = 	snop  }
0x3b: {  	_ = 	snop  }
0x3c: {  	p2 =	seq.s32 s10, $0x1;
	s10 =	sld [smem:$0x3FB0]  }
0x3d: {  	_ =	shalt  }
0x3e: {  	_ =	shalt  }
0x3f: {  	_ =	shalt  }
0x40: {  	_ =	shalt  }
0x41: {  	_ =	shalt  }
0x42: {  	_ =	shalt  }
0x43: {  	_ =	shalt  }
0x44: {  	_ =	shalt  }
0x45: {  	_ =	shalt  }
0x46: {  	_ =	shalt  }
0x47: {  	_ =	shalt  }
0x48: {  	_ =	shalt  }
0x49: {  	_ =	shalt  }
0x4a: {  	_ =	shalt  }
0x4b: {  	_ =	shalt  }
0x4c: {  	_ =	shalt  }
0x4d: {  	_ =	shalt  }
0x4e: {  	_ =	shalt  }
0x4f: {  	_ =	shalt  }
0x50: {  	_ =	shalt  }
0x51: {  	_ =	shalt  }
0x52: {  	_ =	shalt  }
0x53: {  	_ =	shalt  }
0x54: {  	_ =	shalt  }
0x55: {  	_ =	shalt  }
0x56: {  	_ =	shalt  }
0x57: {  	_ =	shalt  }
0x58: {  	_ =	shalt  }
0x59: {  	_ =	shalt  }
0x5a: {  	_ =	shalt  }
0x5b: {  	_ =	shalt  }
0x5c: {  	_ =	shalt  }
0x5d: {  	_ =	shalt  }
0x5e: {  	_ =	shalt  }
0x5f: {  	_ =	shalt  }
0x60: {  	_ =	shalt  }
0x61: {  	_ =	shalt  }
0x62: {  	_ =	shalt  }
0x63: {  	_ =	shalt  }
0x64: {  	_ =	shalt  }
0x65: {  	_ =	shalt  }
0x66: {  	_ =	shalt  }
0x67: {  	_ =	shalt  }
0x68: {  	_ =	shalt  }
0x69: {  	_ =	shalt  }
0x6a: {  	_ =	shalt  }
0x6b: {  	_ =	shalt  }
0x6c: {  	_ =	shalt  }
0x6d: {  	_ =	shalt  }
0x6e: {  	_ =	shalt  }
0x6f: {  	_ =	shalt  }
0x70: {  	_ =	shalt  }
0x71: {  	_ =	shalt  }
0x72: {  	_ =	shalt  }
0x73: {  	_ =	shalt  }
0x74: {  	_ =	shalt  }
0x75: {  	_ =	shalt  }
0x76: {  	_ =	shalt  }
0x77: {  	_ =	shalt  }
0x78: {  	_ =	shalt  }
0x79: {  	_ =	shalt  }
0x7a: {  	_ =	shalt  }
0x7b: {  	_ =	shalt  }
0x7c: {  	_ =	shalt  }
0x7d: {  	_ =	shalt  }
0x7e: {  	_ =	shalt  }
0x7f: {  	_ =	shalt  }
0x80: {  	_ =	shalt  }
0x81: {  	_ =	shalt  }
0x82: {  	_ =	shalt  }
0x83: {  	_ =	shalt  }
0x84: {  	_ =	shalt  }
0x85: {  	_ =	shalt  }
0x86: {  	_ =	shalt  }
0x87: {  	_ =	shalt  }
.Lfunc_end0:
.L_simem_size_0:
called_computation.2_lowered:
.L_overlay_start_0:
0x88: {  	s2 =	sld [smem:$0x3FD9]  }
0x89: {  	s3 =	sld [smem:$0x3FFE];
	_ =	sdelay $0x1  }
0x8a: {  	s1 =	srdreg.scid  }
0x8b: {  	s0 =	sand.u32 $0x1, s1  }
0x8c: {  	s16 =	sshll.u32 s0, $0xA;
	s2 =	sadd.s32 s3, s2  }
0x8d: {  	s2 =	sadd.s32 s2, s16  }
0x8e: {  	[smem:$0x3FBC] =	sst s2  }
0x8f: {  	_ = 	snop  }
0x90: {  	(tm) =	ssettm $0x1  }
0x91: {  	s17 =	sld [smem:$0x3FFB];
	_ =	sdelay $0x3  }
0x92: {  	_ =	strace s17  }
0x93: {  	s2 =	sld [smem:$0x3FFC];
	_ =	sdelay $0x3  }
0x94: {  	_ =	strace s2  }
0x95: {  	s2 =	sld [smem:$0x3FFD];
	_ =	sdelay $0x3  }
0x96: {  	_ =	strace s2  }
0x97: {  	_ =	strace $0x8FFFFFFF  }
0x98: {  	s18 =	sld [smem:$0x3FDB];
	_ =	sdelay $0x1  }
0x99: {  	s19 =	simm.s32 $_scs_section_size  }
0x9a: {  	s4 =	simm.s32 $_size__tile_overlayer_lowered;
	s5 =	simm.s32 $_tile_overlayer_lowered  }
0x9b: {  	s22 =	simm.s32 $0x1BFF;
	s21 =	sshll.u32 s5, $0x1;
	s2 =	sadd.s32 s19, s18  }
0x9c: {  	s6 =	simm.s32 $0x0;
	s20 =	sshll.u32 s4, $0x1;
	s4 =	sadd.s32 s21, s2  }
0x9d: {  	[timem:s6], [sflag:s22] =	dma.local [hbm:s4], s20  }
0x9e: {  	_ =	swait.ge [sflag:s22], s20  }
0x9f: {  	s3 =	ssub.s32 $0x0, s20;
	[sflag:s22] =	ssyncset.done $0x0  }
0xa0: {  	[sflag:s22] =	ssyncadd.s32 s3;
	_ =	sdelay $0x1  }
0xa1: {  	s23 =	simm.s32 $0x1B8B  }
0xa2: {  	_ =	swait.ge [sflag:s23], $0x1  }
0xa3: {  	[sflag:s23] =	ssyncset.done $0x0  }
0xa4: {  	s25 =	simm.s32 $0x1B8E;
	s24 =	sld [smem:$0x3FFE];
	[sflag:s23] =	ssyncadd.s32 $0xFFFFFFFF  }
0xa5: {  	s26 =	simm.s32 $execute0_lowered;
	[smem:$0x3FD2] =	sst s25  }
0xa6: {  	s4 =	sshll.u32 s26, $0x1;
	_ =	strace $0x8000004C;
	[dreg:$0x1] =	wrdreg $0xFFFFFFFF  }
0xa7: {  	s28 =	simm.s32 $_size_execute0_lowered;
	s2 =	sadd.s32 s2, s4;
	[dreg:$0x0] =	wrdreg $0x0  }
0xa8: {  	s4 =	sshll.u32 s28, $0x1;
	[dreg:$0x2] =	wrdreg s2  }
0xa9: {  	[dreg:$0x3] =	wrdreg s4  }
0xaa: {  	[dreg:$0x4] =	wrdreg $0xC0  }
0xab: {  	_ =	task [dreg:s6], $0x5FFFF  }
0xac: {  	[dreg:$0x1] =	wrdreg $0xFFFFFFFF  }
0xad: {  	[dreg:$0x0] =	wrdreg $0x60  }
0xae: {  	[dreg:$0x2] =	wrdreg s24  }
0xaf: {  	[dreg:$0x3] =	wrdreg $0x90000  }
0xb0: {  	[dreg:$0x4] =	wrdreg $0x9  }
0xb1: {  	_ =	task.clear_ibuf [dreg:s6], $0x5FFFF;
	_ =	strace $0x9000004C  }
0xb2: {  	s29 =	simm.s32 $0x9;
	_ =	strace $0x8000004E  }
0xb3: {  	_ =	swait.ge [sflag:s29], $0x1  }
0xb4: {  	[sflag:s29] =	ssyncadd.s32 $0xFFFFFFFF  }
0xb5: {  	_ =	strace $0x9000004E  }
0xb6: {  	_ =	sfence  }
0xb7: {  	s30 =	sld [smem:$0x0];
	_ =	sdelay $0x2  }
0xb8: {  	s31 =	sshll.u32 s1, $0xD;
	s1 =	sshrl.u32 s1, $0x2  }
0xb9: {  	s3 =	sand.u32 $0x4000, s31;
	s1 =	sadd.s32 s1, s30  }
0xba: {  	s0 =	sor.u32 s3, s0;
	s1 =	sshll.u32 s1, $0x11  }
0xbb: {  	s0 =	sor.u32 s1, s0  }
0xbc: {  	s0 =	sadd.s32 $0x8F2B, s0  }
0xbd: {  	[sflag:s0] =	ssyncadd.remote.s32 $0x1  }
0xbe: {  	_ =	sfence.sel $0xFFFF  }
0xbf: {  	[dreg:$0x0] =	wrdreg $0xFFFFFFFF;
	(pc) =	sbr.abs _section_cstart, $3  }
0xc0: {  	[dreg:$0x1] =	wrdreg $0xFFFFFFFF  }
0xc1: {  	_ =	task.clear_ibuf [dreg:s6], $0x2FFFF;
	_ =	strace $0x9FFFFFFF  }
0xc2: {  	(tm) =	ssettm $0x7FFFFFFF  }
0xc3: {  	_ =	shalt  }
tec
execute0_lowered:
.L_overlay_start_1:
0x0: {  	(tag) =	ssettag $0x1  }
0x1: {  	s6 =	rddreg [dreg:$0x0]  }
0x2: {  	s2 =	rddreg [dreg:$0x1]  }
0x3: {  	s1 =	srdreg.scid;
	s0 =	rddreg [dreg:$0x2]  }
0x4: {  	s3 =	simm.s32 $0x0;
	s13 =	simm.s32 $0x5000;
	s7 =	sand.u32 $0x1, s1  }
0x5: {  	s14 =	simm.s32 $0x1;
	s1 =	stileid.u32;
	s5 =	smul.u32 $0x140000, s7  }
0x6: {  	s15 =	simm.s32 $0x0;
	[smem:$0x7FF] =	sst s3;
	s8 =	smul.u32 $0x14000, s1  }
0x7: {  	s4 =	sshll.u32 s7, $0x4;
	_ =	strace $0x8000004D;
	s10 =	smul.u32 $0x50000, s1  }
0x8: {  	s31 =	ssub.s32 $0x2, s7;
	s11 =	sshll.u32 s1, $0x6;
	s4 =	sor.u32 s1, s4  }
0x9: {  	s7 =	sshrl.u32 s31, $0x1;
	s9 =	smul.u32 $0xA00, s4;
	s4 =	sadd.s32 $0x10200, s6  }
0xa: {  	s5 =	sadd.s32 s8, s5;
	s10 =	sshrl.u32 s10, $0x2;
	s12 =	ssub.s32 s31, s7  }
0xb: {  	s30 =	sshrl.u32 s5, $0x3;
	s5 =	sadd.s32 $0xDA00, s6;
	s10 =	sadd.s32 s10, s2  }
0xc: {  	s29 =	sadd.s32 s9, s6;
	s9 =	sadd.s32 s30, s6;
	s6 =	sor.u32 $0x1C02, s11  }
0xd: {  	s10 =	sshrl.u32 s10, $0x3;
	s11 =	simm.s32 $0x2;
	s7 =	sadd.s32 $0x60A00, s29  }
0xe: {  	s8 =	sadd.s32 $0x74A00, s9;
	s9 =	smax.u32 s12, $0x1;
	s12 =	simm.s32 $0x7D  }
.LBB2_1:
0xf: {  	[spmem:s10], [sflag:s6] =	dma.local [hbm:s5], $0x2800  }
0x10: {  	_ =	swait.ge [sflag:s11], $0x2800  }
0x11: {  	[sflag:s11] =	ssyncset.done $0x0  }
0x12: {  	[sflag:s11] =	ssyncadd.s32 $0xFFFFD800  }
0x13: {  	[tilespmem:s3], [sflag:$0x2] =	stream.linear.gather [hbm4b:s7+s3], $0x5000, $0x38;
	[tilespmem:$0x1D000] =	vst v63  }
0x14: {  	_ =	swait.ge [sflag:s11], $0x5000  }
0x15: {  	[sflag:s11] =	ssyncset.done $0x0  }
0x16: {  	[sflag:s11] =	ssyncadd.s32 $0xFFFFB000  }
0x17: {  	s16 =	simm.s32 $0x0;
	[bflag:$0x0] =	sbarrier.arrive $0xFFFF  }
0x18: {  	[tilespmem:s13], [sflag:$0x1] =	stream.indirect.gather [hbm4b:s4+s12], $0x80, s16, s12, $0xb8;
	[tilespmem:$0x1D000] =	vst v63  }
0x19: {  	_ =	swait.ge [sflag:s14], $0x3E80  }
0x1a: {  	[sflag:s14] =	ssyncset.done $0x0  }
0x1b: {  	s31 =	simm.s32 $0x2800;
	[sflag:s14] =	ssyncadd.s32 $0xFFFFC180  }
0x1c: {  	[spmem:s2] =	stream.indirect.scatter.add.f32 [tilespmem:s13], [sflag:$0x2], $0x80, s31, s12, $0xb8;
	[tilespmem:$0x1D000] =	vst v63  }
0x1d: {  	_ =	swait.ge [sflag:s11], $0x3E80  }
0x1e: {  	s17 =	simm.s32 $0x400;
	s16 =	simm.s32 $0x200;
	[sflag:s11] =	ssyncset.done $0x0  }
.LBB2_2:
0x1f: {  	s18 =	sshra.s32 s16, $0x2  }
0x20: {  	[sflag:s11] =	ssyncadd.s32 $0xFFFFC180;
	s16 =	smov.u32 s17;
	s19 =	sadd.s32 $0x200, s17  }
0x21: {  	[tilespmem:s13], [sflag:$0x1] =	stream.indirect.gather [hbm4b:s4+s12], $0x80, s18, s12, $0xb8;
	[tilespmem:$0x1D000] =	vst v63  }
0x22: {  	p0 =	sne.s32 s17, $0x9E00;
	_ =	swait.ge [sflag:s14], $0x3E80  }
.Ltmp0:
0x23: {  	[sflag:s14] =	ssyncset.done $0x0;
	(pc) =	sbr.rel @p0 .LBB2_2-.Ltmp0, $4  }
0x24: {  	s17 =	sadd.s32 $0x2800, s18;
	[sflag:s14] =	ssyncadd.s32 $0xFFFFC180  }
0x25: {  	[spmem:s2] =	stream.indirect.scatter.add.f32 [tilespmem:s13], [sflag:$0x2], $0x80, s17, s12, $0xb8;
	[tilespmem:$0x1D000] =	vst v63  }
0x26: {  	_ =	swait.ge [sflag:s11], $0x3E80  }
0x27: {  	s17 =	smov.u32 s19;
	[sflag:s11] =	ssyncset.done $0x0  }
0x28: {  	s16 =	sshra.s32 s16, $0x2;
	[sflag:s11] =	ssyncadd.s32 $0xFFFFC180  }
0x29: {  	[tilespmem:s13], [sflag:$0x1] =	stream.indirect.gather [hbm4b:s4+s12], $0x80, s16, s12, $0xb8;
	[tilespmem:$0x1D000] =	vst v63  }
0x2a: {  	_ =	swait.ge [sflag:s14], $0x3E80  }
0x2b: {  	[sflag:s14] =	ssyncset.done $0x0  }
0x2c: {  	s16 =	sadd.s32 $0x2800, s16;
	[sflag:s14] =	ssyncadd.s32 $0xFFFFC180  }
0x2d: {  	[spmem:s2] =	stream.indirect.scatter.add.f32 [tilespmem:s13], [sflag:$0x2], $0x80, s16, s12, $0xb8;
	[tilespmem:$0x1D000] =	vst v63  }
0x2e: {  	_ =	swait.ge [sflag:s11], $0x3E80  }
0x2f: {  	s15 =	sadd.s32 $0x1, s15;
	[sflag:s11] =	ssyncset.done $0x0  }
0x30: {  	p0 =	sne.s32 s15, s9;
	[sflag:s11] =	ssyncadd.s32 $0xFFFFC180  }
.Ltmp1:
0x31: {  	[bflag:$0x0] =	sbarrier.arrive $0xFFFF;
	(pc) =	sbr.rel @p0 .LBB2_1-.Ltmp1, $4  }
0x32: {  	[hbm:s8], [sflag:s6] =	dma.local [spmem:s10], $0x2800  }
0x33: {  	_ =	swait.ge [sflag:s11], $0x2800  }
0x34: {  	[sflag:s11] =	ssyncset.done $0x0  }
0x35: {  	[sflag:s11] =	ssyncadd.s32 $0xFFFFD800  }
0x36: {  	_ =	sfence.sel $0x180000  }
0x37: {  	[bflag:$0x0] =	sbarrier.arrive $0xFFFF  }
0x38: {  	p0 =	sne.s32 s1, $0x0;
	_ =	strace $0x9000004D  }
0x39: {  	s0 =	sadd.s32 @!p0 $0x100000, s0;
	[bflag:$0x2] =	sbarrier.arrive $0xFFFF  }
0x3a: {  	[sflag:s0] =	ssyncadd.tile.s32 @!p0 $0x1;
	_ =	shalt  }
.Lfunc_end2:
_tile_overlayer_lowered:
.L_overlay_start_2:
0x3b: {  	(tag) =	ssettag $0x2  }
0x3c: {  	s0 =	rddreg [dreg:$0x0];
	s2 =	stileid.u32  }
0x3d: {  	s1 =	rddreg [dreg:$0x1];
	p0 =	sne.s32 s2, $0x0  }
0x3e: {  	s3 =	rddreg [dreg:$0x2];
	[bflag:$0x3] =	sbarrier.arrive $0xFFFF;
	s2 =	simm.s32 @!p0 $0x1C02  }
0x3f: {  	[timem:s3], [sflag:s2] =	dma.local @!p0 [hbm:s0], s1  }
0x40: {  	s0 =	simm.s32 @!p0 $0x2  }
0x41: {  	_ =	swait.ge @!p0 [sflag:s0], s1  }
0x42: {  	s1 =	ssub.s32 @!p0 $0x0, s1;
	[sflag:s0] =	ssyncset.done @!p0 $0x0  }
0x43: {  	[sflag:s0] =	ssyncadd.s32 @!p0 s1  }
0x44: {  	[bflag:$0x3] =	sbarrier.arrive $0xFFFF  }
0x45: {  	_ =	shalt  }

// kernel: kernel.20.cloned.1.call-start
scs
__scs_entry_jumppad:
0x0: {  	(pc) =	sbr.rel $0x88, $3  }
0x1: {  	(tag) =	ssettag $0x0;
	lr =	simm.s32 $0x1  }
0x2: {  	[smem:$0x3F95] =	sst lr;
	_ =	strace $0xD0000000  }
0x3: {  	_ = 	snop  }
0x4: {  	_ = 	snop  }
0x5: {  	_ = 	snop  }
0x6: {  	_ = 	snop  }
0x7: {  	_ = 	snop  }
__scs_overlays_trampoline_lowered:
0x8: {  	[smem:$0x3FA4] =	sst s0  }
0x9: {  	[smem:$0x3FA5] =	sst s1  }
0xa: {  	[smem:$0x3FA6] =	sst s2  }
0xb: {  	[smem:$0x3FA7] =	sst s3  }
0xc: {  	[smem:$0x3FA8] =	sst s4  }
0xd: {  	[smem:$0x3FA9] =	sst s5  }
0xe: {  	[smem:$0x3FAA] =	sst s6  }
0xf: {  	[smem:$0x3FAB] =	sst s7  }
0x10: {  	[smem:$0x3FAC] =	sst s8  }
0x11: {  	[smem:$0x3FAD] =	sst s9;
	s0 =	simm.s32 @!p0 $0x0  }
0x12: {  	s1 =	sld [smem:$0x3F93];
	s0 =	simm.s32 @p0 $0x1  }
0x13: {  	[smem:$0x3FAE] =	sst s0;
	s0 =	simm.s32 @!p1 $0x0  }
0x14: {  	s2 =	sld [smem:$0x3F92];
	s0 =	simm.s32 @p1 $0x1  }
0x15: {  	[smem:$0x3FAF] =	sst s0;
	s0 =	simm.s32 @!p2 $0x0  }
0x16: {  	s3 =	sld [smem:$0x3FDB];
	s0 =	simm.s32 @p2 $0x1  }
0x17: {  	s4 =	simm.s32 $0x1BF5;
	[smem:$0x3FB1] =	sst s0  }
0x18: {  	s0 =	sld [smem:$0x3F94];
	_ =	swait.ge [sflag:s4], $0x0  }
0x19: {  	s7 =	sld [smem:$0x3F95]  }
0x1a: {  	s8 =	sadd.s32 $0xFFFFE003, lr  }
0x1b: {  	s9 =	sadd.s32 $0xFFFFFEF7, lr;
	s5 =	simm.s32 $0xFFFFFFFF;
	p2 =	slt.u32 s8, $0xFFFFF086  }
0x1c: {  	p1 =	slt.u32 s9, $0xF7A;
	s5 =	simm.s32 @!p2 $0x0  }
0x1d: {  	s5 =	simm.s32 @p1 $0x1;
	p0 =	seq.s32 s7, s2  }
0x1e: {  	s7 =	smul.u32 @!p0 $0xF7A, s2;
	p2 =	seq.s32 @!p0 s5, $0x0  }
0x1f: {  	s9 =	smul.u32 $0xF7A, s1;
	s8 =	simm.s32 @!p0 $0x1BF5;
	p2 =	por !p2, p0  }
0x20: {  	[sflag:s8] =	ssyncset.s32 @!p0 $0xFFFFF086;
	s6 =	sadd.s32 @!p0 s3, s7;
	s7 =	simm.s32 @!p0 $0x108  }
0x21: {  	s3 =	sadd.s32 s3, s9;
	s6 =	sadd.s32 @!p0 $0x88, s6;
	s7 =	simm.s32 @p2 $0x1082  }
0x22: {  	[simem:s7], [sflag:s8] =	dma.local @!p0 [hbm:s6], $0xF7A  }
0x23: {  	s9 =	sor.u32 $0xD0000000, s2;
	s6 =	simm.s32 $0x108;
	_ =	swait.ge @!p0 [sflag:s8], $0x0  }
0x24: {  	s3 =	sadd.s32 $0x88, s3;
	s6 =	simm.s32 @!p1 $0x1082;
	[sflag:s4] =	ssyncset.s32 $0xFFFFF086  }
0x25: {  	[simem:s6], [sflag:s4] =	dma.local [hbm:s3], $0xF7A  }
0x26: {  	[smem:$0x3F95] =	sst s1;
	(tag) =	ssettag s2;
	_ =	strace s9  }
0x27: {  	s1 =	sld [smem:$0x3FA5]  }
0x28: {  	s2 =	sld [smem:$0x3FA6]  }
0x29: {  	s4 =	sld [smem:$0x3FA8]  }
0x2a: {  	p0 =	seq.s32 s5, $0x0;
	s5 =	sld [smem:$0x3FA9]  }
0x2b: {  	s6 =	sld [smem:$0x3FAA]  }
0x2c: {  	s7 =	sld [smem:$0x3FAB]  }
0x2d: {  	s3 =	simm.s32 $0x108;
	s8 =	sld [smem:$0x3FAC]  }
0x2e: {  	s3 =	simm.s32 @!p0 $0x1082;
	s9 =	sld [smem:$0x3FAD]  }
0x2f: {  	lr =	sadd.s32 s0, s3;
	s0 =	sld [smem:$0x3FA4]  }
0x30: {  	s3 =	sld [smem:$0x3FA7]  }
0x31: {  	[smem:$0x3FB0] =	sst s10  }
0x32: {  	s10 =	sld [smem:$0x3FAE];
	_ =	sdelay $0x3  }
0x33: {  	p0 =	seq.s32 s10, $0x1;
	s10 =	sld [smem:$0x3FB0];
	_ =	sdelay $0x3  }
0x34: {  	[smem:$0x3FB0] =	sst s10  }
0x35: {  	s10 =	sld [smem:$0x3FAF];
	_ =	sdelay $0x3  }
0x36: {  	p1 =	seq.s32 s10, $0x1;
	s10 =	sld [smem:$0x3FB0];
	_ =	sdelay $0x3  }
0x37: {  	[smem:$0x3FB0] =	sst s10  }
0x38: {  	s10 =	sld [smem:$0x3FB1]  }
0x39: {  	_ = 	snop;
	(pc) =	sbr.ind lr, $3  }
0x3a: {  	_ = 	snop  }
0x3b: {  	_ = 	snop  }
0x3c: {  	p2 =	seq.s32 s10, $0x1;
	s10 =	sld [smem:$0x3FB0]  }
0x3d: {  	_ =	shalt  }
0x3e: {  	_ =	shalt  }
0x3f: {  	_ =	shalt  }
0x40: {  	_ =	shalt  }
0x41: {  	_ =	shalt  }
0x42: {  	_ =	shalt  }
0x43: {  	_ =	shalt  }
0x44: {  	_ =	shalt  }
0x45: {  	_ =	shalt  }
0x46: {  	_ =	shalt  }
0x47: {  	_ =	shalt  }
0x48: {  	_ =	shalt  }
0x49: {  	_ =	shalt  }
0x4a: {  	_ =	shalt  }
0x4b: {  	_ =	shalt  }
0x4c: {  	_ =	shalt  }
0x4d: {  	_ =	shalt  }
0x4e: {  	_ =	shalt  }
0x4f: {  	_ =	shalt  }
0x50: {  	_ =	shalt  }
0x51: {  	_ =	shalt  }
0x52: {  	_ =	shalt  }
0x53: {  	_ =	shalt  }
0x54: {  	_ =	shalt  }
0x55: {  	_ =	shalt  }
0x56: {  	_ =	shalt  }
0x57: {  	_ =	shalt  }
0x58: {  	_ =	shalt  }
0x59: {  	_ =	shalt  }
0x5a: {  	_ =	shalt  }
0x5b: {  	_ =	shalt  }
0x5c: {  	_ =	shalt  }
0x5d: {  	_ =	shalt  }
0x5e: {  	_ =	shalt  }
0x5f: {  	_ =	shalt  }
0x60: {  	_ =	shalt  }
0x61: {  	_ =	shalt  }
0x62: {  	_ =	shalt  }
0x63: {  	_ =	shalt  }
0x64: {  	_ =	shalt  }
0x65: {  	_ =	shalt  }
0x66: {  	_ =	shalt  }
0x67: {  	_ =	shalt  }
0x68: {  	_ =	shalt  }
0x69: {  	_ =	shalt  }
0x6a: {  	_ =	shalt  }
0x6b: {  	_ =	shalt  }
0x6c: {  	_ =	shalt  }
0x6d: {  	_ =	shalt  }
0x6e: {  	_ =	shalt  }
0x6f: {  	_ =	shalt  }
0x70: {  	_ =	shalt  }
0x71: {  	_ =	shalt  }
0x72: {  	_ =	shalt  }
0x73: {  	_ =	shalt  }
0x74: {  	_ =	shalt  }
0x75: {  	_ =	shalt  }
0x76: {  	_ =	shalt  }
0x77: {  	_ =	shalt  }
0x78: {  	_ =	shalt  }
0x79: {  	_ =	shalt  }
0x7a: {  	_ =	shalt  }
0x7b: {  	_ =	shalt  }
0x7c: {  	_ =	shalt  }
0x7d: {  	_ =	shalt  }
0x7e: {  	_ =	shalt  }
0x7f: {  	_ =	shalt  }
0x80: {  	_ =	shalt  }
0x81: {  	_ =	shalt  }
0x82: {  	_ =	shalt  }
0x83: {  	_ =	shalt  }
0x84: {  	_ =	shalt  }
0x85: {  	_ =	shalt  }
0x86: {  	_ =	shalt  }
0x87: {  	_ =	shalt  }
.Lfunc_end0:
.L_simem_size_0:
called_computation.3_lowered:
.L_overlay_start_0:
0x88: {  	s2 =	sld [smem:$0x3FD9]  }
0x89: {  	s3 =	sld [smem:$0x3FFE];
	_ =	sdelay $0x1  }
0x8a: {  	s1 =	srdreg.scid  }
0x8b: {  	s0 =	sand.u32 $0x1, s1  }
0x8c: {  	s16 =	sshll.u32 s0, $0xA;
	s2 =	sadd.s32 s3, s2  }
0x8d: {  	s2 =	sadd.s32 s2, s16  }
0x8e: {  	[smem:$0x3FBC] =	sst s2  }
0x8f: {  	_ = 	snop  }
0x90: {  	(tm) =	ssettm $0x1  }
0x91: {  	s17 =	sld [smem:$0x3FFB];
	_ =	sdelay $0x3  }
0x92: {  	_ =	strace s17  }
0x93: {  	s2 =	sld [smem:$0x3FFC];
	_ =	sdelay $0x3  }
0x94: {  	_ =	strace s2  }
0x95: {  	s2 =	sld [smem:$0x3FFD];
	_ =	sdelay $0x3  }
0x96: {  	_ =	strace s2  }
0x97: {  	_ =	strace $0x8FFFFFFF  }
0x98: {  	s18 =	sld [smem:$0x3FDB];
	_ =	sdelay $0x1  }
0x99: {  	s19 =	simm.s32 $_scs_section_size  }
0x9a: {  	s4 =	simm.s32 $_size__tile_overlayer_lowered;
	s5 =	simm.s32 $_tile_overlayer_lowered  }
0x9b: {  	s22 =	simm.s32 $0x1BFF;
	s21 =	sshll.u32 s5, $0x1;
	s2 =	sadd.s32 s19, s18  }
0x9c: {  	s6 =	simm.s32 $0x0;
	s20 =	sshll.u32 s4, $0x1;
	s4 =	sadd.s32 s21, s2  }
0x9d: {  	[timem:s6], [sflag:s22] =	dma.local [hbm:s4], s20  }
0x9e: {  	_ =	swait.ge [sflag:s22], s20  }
0x9f: {  	s3 =	ssub.s32 $0x0, s20;
	[sflag:s22] =	ssyncset.done $0x0  }
0xa0: {  	[sflag:s22] =	ssyncadd.s32 s3;
	_ =	sdelay $0x1  }
0xa1: {  	s23 =	simm.s32 $0x1B8B  }
0xa2: {  	_ =	swait.ge [sflag:s23], $0x1  }
0xa3: {  	[sflag:s23] =	ssyncset.done $0x0  }
0xa4: {  	s25 =	simm.s32 $0x1B8E;
	s24 =	sld [smem:$0x3FFE];
	[sflag:s23] =	ssyncadd.s32 $0xFFFFFFFF  }
0xa5: {  	s26 =	simm.s32 $execute0_lowered;
	[smem:$0x3FD2] =	sst s25  }
0xa6: {  	s4 =	sshll.u32 s26, $0x1;
	_ =	strace $0x8000004F;
	[dreg:$0x1] =	wrdreg $0xFFFFFFFF  }
0xa7: {  	s28 =	simm.s32 $_size_execute0_lowered;
	s2 =	sadd.s32 s2, s4;
	[dreg:$0x0] =	wrdreg $0x0  }
0xa8: {  	s4 =	sshll.u32 s28, $0x1;
	[dreg:$0x2] =	wrdreg s2  }
0xa9: {  	[dreg:$0x3] =	wrdreg s4  }
0xaa: {  	[dreg:$0x4] =	wrdreg $0xC0  }
0xab: {  	_ =	task [dreg:s6], $0x5FFFF  }
0xac: {  	[dreg:$0x1] =	wrdreg $0xFFFFFFFF  }
0xad: {  	[dreg:$0x0] =	wrdreg $0x60  }
0xae: {  	[dreg:$0x2] =	wrdreg s24  }
0xaf: {  	[dreg:$0x3] =	wrdreg $0x90000  }
0xb0: {  	[dreg:$0x4] =	wrdreg $0x9  }
0xb1: {  	_ =	task.clear_ibuf [dreg:s6], $0x5FFFF;
	_ =	strace $0x9000004F  }
0xb2: {  	s29 =	simm.s32 $0x9;
	_ =	strace $0x80000051  }
0xb3: {  	_ =	swait.ge [sflag:s29], $0x1  }
0xb4: {  	[sflag:s29] =	ssyncadd.s32 $0xFFFFFFFF  }
0xb5: {  	_ =	strace $0x90000051  }
0xb6: {  	_ =	sfence  }
0xb7: {  	s30 =	sld [smem:$0x0];
	_ =	sdelay $0x2  }
0xb8: {  	s31 =	sshll.u32 s1, $0xD;
	s1 =	sshrl.u32 s1, $0x2  }
0xb9: {  	s3 =	sand.u32 $0x4000, s31;
	s1 =	sadd.s32 s1, s30  }
0xba: {  	s0 =	sor.u32 s3, s0;
	s1 =	sshll.u32 s1, $0x11  }
0xbb: {  	s0 =	sor.u32 s1, s0  }
0xbc: {  	s0 =	sadd.s32 $0x8F2B, s0  }
0xbd: {  	[sflag:s0] =	ssyncadd.remote.s32 $0x1  }
0xbe: {  	_ =	sfence.sel $0xFFFF  }
0xbf: {  	[dreg:$0x0] =	wrdreg $0xFFFFFFFF;
	(pc) =	sbr.abs _section_cstart, $3  }
0xc0: {  	[dreg:$0x1] =	wrdreg $0xFFFFFFFF  }
0xc1: {  	_ =	task.clear_ibuf [dreg:s6], $0x2FFFF;
	_ =	strace $0x9FFFFFFF  }
0xc2: {  	(tm) =	ssettm $0x7FFFFFFF  }
0xc3: {  	_ =	shalt  }
tec
execute0_lowered:
.L_overlay_start_1:
0x0: {  	(tag) =	ssettag $0x1  }
0x1: {  	s6 =	rddreg [dreg:$0x0]  }
0x2: {  	s2 =	rddreg [dreg:$0x1]  }
0x3: {  	s1 =	srdreg.scid;
	s0 =	rddreg [dreg:$0x2]  }
0x4: {  	s3 =	simm.s32 $0x0;
	s13 =	simm.s32 $0x5000;
	s7 =	sand.u32 $0x1, s1  }
0x5: {  	s14 =	simm.s32 $0x1;
	s1 =	stileid.u32;
	s5 =	smul.u32 $0x140000, s7  }
0x6: {  	s15 =	simm.s32 $0x0;
	[smem:$0x7FF] =	sst s3;
	s8 =	smul.u32 $0x14000, s1  }
0x7: {  	s4 =	sshll.u32 s7, $0x4;
	_ =	strace $0x80000050;
	s10 =	smul.u32 $0x50000, s1  }
0x8: {  	s31 =	ssub.s32 $0x2, s7;
	s11 =	sshll.u32 s1, $0x6;
	s4 =	sor.u32 s1, s4  }
0x9: {  	s7 =	sshrl.u32 s31, $0x1;
	s9 =	smul.u32 $0xA00, s4;
	s4 =	sadd.s32 $0x10200, s6  }
0xa: {  	s5 =	sadd.s32 s8, s5;
	s10 =	sshrl.u32 s10, $0x2;
	s12 =	ssub.s32 s31, s7  }
0xb: {  	s30 =	sshrl.u32 s5, $0x3;
	s5 =	sadd.s32 $0xDA00, s6;
	s10 =	sadd.s32 s10, s2  }
0xc: {  	s29 =	sadd.s32 s9, s6;
	s9 =	sadd.s32 s30, s6;
	s6 =	sor.u32 $0x1C02, s11  }
0xd: {  	s10 =	sshrl.u32 s10, $0x3;
	s11 =	simm.s32 $0x2;
	s7 =	sadd.s32 $0x60A00, s29  }
0xe: {  	s8 =	sadd.s32 $0x74A00, s9;
	s9 =	smax.u32 s12, $0x1;
	s12 =	simm.s32 $0x7D  }
.LBB2_1:
0xf: {  	[spmem:s10], [sflag:s6] =	dma.local [hbm:s5], $0x2800  }
0x10: {  	_ =	swait.ge [sflag:s11], $0x2800  }
0x11: {  	[sflag:s11] =	ssyncset.done $0x0  }
0x12: {  	[sflag:s11] =	ssyncadd.s32 $0xFFFFD800  }
0x13: {  	[tilespmem:s3], [sflag:$0x2] =	stream.linear.gather [hbm4b:s7+s3], $0x5000, $0x38;
	[tilespmem:$0x1D000] =	vst v63  }
0x14: {  	_ =	swait.ge [sflag:s11], $0x5000  }
0x15: {  	[sflag:s11] =	ssyncset.done $0x0  }
0x16: {  	[sflag:s11] =	ssyncadd.s32 $0xFFFFB000  }
0x17: {  	s16 =	simm.s32 $0x0;
	[bflag:$0x0] =	sbarrier.arrive $0xFFFF  }
0x18: {  	[tilespmem:s13], [sflag:$0x1] =	stream.indirect.gather [hbm4b:s4+s12], $0x80, s16, s12, $0xb8;
	[tilespmem:$0x1D000] =	vst v63  }
0x19: {  	_ =	swait.ge [sflag:s14], $0x3E80  }
0x1a: {  	[sflag:s14] =	ssyncset.done $0x0  }
0x1b: {  	s31 =	simm.s32 $0x2800;
	[sflag:s14] =	ssyncadd.s32 $0xFFFFC180  }
0x1c: {  	[spmem:s2] =	stream.indirect.scatter.add.f32 [tilespmem:s13], [sflag:$0x2], $0x80, s31, s12, $0xb8;
	[tilespmem:$0x1D000] =	vst v63  }
0x1d: {  	_ =	swait.ge [sflag:s11], $0x3E80  }
0x1e: {  	s17 =	simm.s32 $0x400;
	s16 =	simm.s32 $0x200;
	[sflag:s11] =	ssyncset.done $0x0  }
.LBB2_2:
0x1f: {  	s18 =	sshra.s32 s16, $0x2  }
0x20: {  	[sflag:s11] =	ssyncadd.s32 $0xFFFFC180;
	s16 =	smov.u32 s17;
	s19 =	sadd.s32 $0x200, s17  }
0x21: {  	[tilespmem:s13], [sflag:$0x1] =	stream.indirect.gather [hbm4b:s4+s12], $0x80, s18, s12, $0xb8;
	[tilespmem:$0x1D000] =	vst v63  }
0x22: {  	p0 =	sne.s32 s17, $0x9E00;
	_ =	swait.ge [sflag:s14], $0x3E80  }
.Ltmp0:
0x23: {  	[sflag:s14] =	ssyncset.done $0x0;
	(pc) =	sbr.rel @p0 .LBB2_2-.Ltmp0, $4  }
0x24: {  	s17 =	sadd.s32 $0x2800, s18;
	[sflag:s14] =	ssyncadd.s32 $0xFFFFC180  }
0x25: {  	[spmem:s2] =	stream.indirect.scatter.add.f32 [tilespmem:s13], [sflag:$0x2], $0x80, s17, s12, $0xb8;
	[tilespmem:$0x1D000] =	vst v63  }
0x26: {  	_ =	swait.ge [sflag:s11], $0x3E80  }
0x27: {  	s17 =	smov.u32 s19;
	[sflag:s11] =	ssyncset.done $0x0  }
0x28: {  	s16 =	sshra.s32 s16, $0x2;
	[sflag:s11] =	ssyncadd.s32 $0xFFFFC180  }
0x29: {  	[tilespmem:s13], [sflag:$0x1] =	stream.indirect.gather [hbm4b:s4+s12], $0x80, s16, s12, $0xb8;
	[tilespmem:$0x1D000] =	vst v63  }
0x2a: {  	_ =	swait.ge [sflag:s14], $0x3E80  }
0x2b: {  	[sflag:s14] =	ssyncset.done $0x0  }
0x2c: {  	s16 =	sadd.s32 $0x2800, s16;
	[sflag:s14] =	ssyncadd.s32 $0xFFFFC180  }
0x2d: {  	[spmem:s2] =	stream.indirect.scatter.add.f32 [tilespmem:s13], [sflag:$0x2], $0x80, s16, s12, $0xb8;
	[tilespmem:$0x1D000] =	vst v63  }
0x2e: {  	_ =	swait.ge [sflag:s11], $0x3E80  }
0x2f: {  	s15 =	sadd.s32 $0x1, s15;
	[sflag:s11] =	ssyncset.done $0x0  }
0x30: {  	p0 =	sne.s32 s15, s9;
	[sflag:s11] =	ssyncadd.s32 $0xFFFFC180  }
.Ltmp1:
0x31: {  	[bflag:$0x0] =	sbarrier.arrive $0xFFFF;
	(pc) =	sbr.rel @p0 .LBB2_1-.Ltmp1, $4  }
0x32: {  	[hbm:s8], [sflag:s6] =	dma.local [spmem:s10], $0x2800  }
0x33: {  	_ =	swait.ge [sflag:s11], $0x2800  }
0x34: {  	[sflag:s11] =	ssyncset.done $0x0  }
0x35: {  	[sflag:s11] =	ssyncadd.s32 $0xFFFFD800  }
0x36: {  	_ =	sfence.sel $0x180000  }
0x37: {  	[bflag:$0x0] =	sbarrier.arrive $0xFFFF  }
0x38: {  	p0 =	sne.s32 s1, $0x0;
	_ =	strace $0x90000050  }
0x39: {  	s0 =	sadd.s32 @!p0 $0x100000, s0;
	[bflag:$0x2] =	sbarrier.arrive $0xFFFF  }
0x3a: {  	[sflag:s0] =	ssyncadd.tile.s32 @!p0 $0x1;
	_ =	shalt  }
.Lfunc_end2:
_tile_overlayer_lowered:
.L_overlay_start_2:
0x3b: {  	(tag) =	ssettag $0x2  }
0x3c: {  	s0 =	rddreg [dreg:$0x0];
	s2 =	stileid.u32  }
0x3d: {  	s1 =	rddreg [dreg:$0x1];
	p0 =	sne.s32 s2, $0x0  }
0x3e: {  	s3 =	rddreg [dreg:$0x2];
	[bflag:$0x3] =	sbarrier.arrive $0xFFFF;
	s2 =	simm.s32 @!p0 $0x1C02  }
0x3f: {  	[timem:s3], [sflag:s2] =	dma.local @!p0 [hbm:s0], s1  }
0x40: {  	s0 =	simm.s32 @!p0 $0x2  }
0x41: {  	_ =	swait.ge @!p0 [sflag:s0], s1  }
0x42: {  	s1 =	ssub.s32 @!p0 $0x0, s1;
	[sflag:s0] =	ssyncset.done @!p0 $0x0  }
0x43: {  	[sflag:s0] =	ssyncadd.s32 @!p0 s1  }
0x44: {  	[bflag:$0x3] =	sbarrier.arrive $0xFFFF  }
0x45: {  	_ =	shalt  }

</sc_bundles>
